<compile_context>
chip_gen: v7x
topology: tpu7x:2x2x1
jax: 0.10.2.dev20260603
libtpu: 0.0.44.dev20260713+nightly
codegen_flags: <defaults>
</compile_context>

<pallas_src>
import functools

import jax
import jax.numpy as jnp
from jax import lax
from jax.experimental import pallas as pl
from jax.experimental.pallas import tpu as pltpu
from jax.experimental.pallas import tpu_sc as plsc

N = 10000
D = 128
E = 320000

NC = 2
NS = 16
NW = NC * NS
PER_CORE = E // NC
PER_TILE = PER_CORE // NS
CH = 80
NCHUNK = PER_TILE // CH
NPAD = 10240
ROWS_PER_TILE = NPAD // NS
L = 16

_mesh = plsc.VectorSubcoreMesh(core_axis_name="c", subcore_axis_name="s")


@functools.partial(
    pl.kernel,
    out_type=[
        jax.ShapeDtypeStruct((NC, NPAD, D), jnp.float32),
        jax.ShapeDtypeStruct((NC, NS, NPAD), jnp.float32),
    ],
    mesh=_mesh,
    compiler_params=pltpu.CompilerParams(needs_layout_passes=False),
    scratch_types=[
        pltpu.VMEM((CH,), jnp.int32),
        pltpu.VMEM((CH,), jnp.int32),
        pltpu.VMEM((CH, D), jnp.float32),
        pltpu.VMEM((NPAD,), jnp.float32),
        pltpu.VMEM_SHARED((NPAD, D), jnp.float32),
        pltpu.SemaphoreType.DMA,
    ],
)
def _agg_counts(x_hbm, src_hbm, dst_hbm, zrow_hbm,
                acc_out, cnt_out,
                src_v, dst_v, rows_v, cnt_v, acc_sh, sem):
    c = lax.axis_index("c")
    s = lax.axis_index("s")
    ebase = c * PER_CORE + s * PER_TILE
    rbase = s * ROWS_PER_TILE
    pltpu.sync_copy(zrow_hbm.at[pl.ds(rbase, ROWS_PER_TILE)],
                    acc_sh.at[pl.ds(rbase, ROWS_PER_TILE)])

    zeros = jnp.zeros((L,), jnp.float32)

    def zbody(j, carry):
        cnt_v[pl.ds(j * L, L)] = zeros
        return carry

    lax.fori_loop(0, NPAD // L, zbody, 0)
    plsc.subcore_barrier()

    ones = jnp.ones((L,), jnp.float32)

    def body(i, carry):
        off = ebase + i * CH
        pltpu.sync_copy(src_hbm.at[pl.ds(off, CH)], src_v)
        pltpu.sync_copy(dst_hbm.at[pl.ds(off, CH)], dst_v)
        pltpu.async_copy(x_hbm.at[src_v], rows_v, sem).wait()
        pltpu.sync_copy(rows_v, acc_sh.at[dst_v], add=True)
        for k in range(CH // L):
            idx = dst_v[pl.ds(k * L, L)]
            plsc.addupdate_scatter(cnt_v, [idx], ones)
        return carry

    lax.fori_loop(0, NCHUNK, body, 0)
    plsc.subcore_barrier()
    pltpu.sync_copy(acc_sh.at[pl.ds(rbase, ROWS_PER_TILE)],
                    acc_out.at[c, pl.ds(rbase, ROWS_PER_TILE)])
    pltpu.sync_copy(cnt_v, cnt_out.at[c, s])


@functools.partial(
    pl.kernel,
    out_type=jax.ShapeDtypeStruct((NC, NPAD, D), jnp.float32),
    mesh=_mesh,
    compiler_params=pltpu.CompilerParams(needs_layout_passes=False),
    scratch_types=[
        pltpu.VMEM((CH,), jnp.int32),
        pltpu.VMEM((CH,), jnp.int32),
        pltpu.VMEM((CH, D), jnp.float32),
        pltpu.VMEM_SHARED((NPAD, D), jnp.float32),
        pltpu.SemaphoreType.DMA,
    ],
)
def _agg(x_hbm, src_hbm, dst_hbm, zrow_hbm,
         acc_out,
         src_v, dst_v, rows_v, acc_sh, sem):
    c = lax.axis_index("c")
    s = lax.axis_index("s")
    ebase = c * PER_CORE + s * PER_TILE
    rbase = s * ROWS_PER_TILE
    pltpu.sync_copy(zrow_hbm.at[pl.ds(rbase, ROWS_PER_TILE)],
                    acc_sh.at[pl.ds(rbase, ROWS_PER_TILE)])
    plsc.subcore_barrier()

    def body(i, carry):
        off = ebase + i * CH
        pltpu.sync_copy(src_hbm.at[pl.ds(off, CH)], src_v)
        pltpu.sync_copy(dst_hbm.at[pl.ds(off, CH)], dst_v)
        pltpu.async_copy(x_hbm.at[src_v], rows_v, sem).wait()
        pltpu.sync_copy(rows_v, acc_sh.at[dst_v], add=True)
        return carry

    lax.fori_loop(0, NCHUNK, body, 0)
    plsc.subcore_barrier()
    pltpu.sync_copy(acc_sh.at[pl.ds(rbase, ROWS_PER_TILE)],
                    acc_out.at[c, pl.ds(rbase, ROWS_PER_TILE)])


def _dense_body(acc_ref, cnt_ref, x_ref, wl_ref, b_ref, wr_ref, o_ref):
    ssum = acc_ref[0] + acc_ref[1]
    cnt = jnp.sum(cnt_ref[...], axis=0)[:, None]
    mean = ssum / jnp.maximum(cnt, 1.0)
    z = (jnp.dot(mean, wl_ref[...], preferred_element_type=jnp.float32,
                 precision=lax.Precision.HIGHEST)
         + b_ref[...]
         + jnp.dot(x_ref[...], wr_ref[...], preferred_element_type=jnp.float32,
                   precision=lax.Precision.HIGHEST))
    h = jax.nn.sigmoid(z)
    nrm = jnp.sqrt(jnp.sum(h * h, axis=1, keepdims=True))
    o_ref[...] = h / jnp.maximum(nrm, 1e-12)


def _make_dense(dout, br=1024):
    return pl.pallas_call(
        _dense_body,
        grid=(NPAD // br,),
        in_specs=[
            pl.BlockSpec((NC, br, D), lambda i: (0, i, 0)),
            pl.BlockSpec((NW, br), lambda i: (0, i)),
            pl.BlockSpec((br, D), lambda i: (i, 0)),
            pl.BlockSpec((D, dout), lambda i: (0, 0)),
            pl.BlockSpec((1, dout), lambda i: (0, 0)),
            pl.BlockSpec((D, dout), lambda i: (0, 0)),
        ],
        out_specs=pl.BlockSpec((br, dout), lambda i: (i, 0)),
        out_shape=jax.ShapeDtypeStruct((NPAD, dout), jnp.float32),
    )


_dense128 = _make_dense(128)
_dense256 = _make_dense(256)


@jax.jit
def kernel(x, edge_index, W1_l, b1_l, W1_r, W2_l, b2_l, W2_r):
    src = edge_index[0].astype(jnp.int32)
    dst = edge_index[1].astype(jnp.int32)
    zrow = jnp.zeros((NPAD, D), jnp.float32)

    xp = jnp.zeros((NPAD, D), jnp.float32).at[:N].set(x)

    acc1, cnt3 = _agg_counts(x, src, dst, zrow)
    cnt = cnt3.reshape(NW, NPAD)
    h1 = _dense128(acc1, cnt, xp, W1_l.T, b1_l[None, :], W1_r.T)
    acc2 = _agg(h1, src, dst, zrow)
    h2 = _dense256(acc2, cnt, h1, W2_l.T, b2_l[None, :], W2_r.T)
    return h2[:N]

# --- scband reference (transcript-rebuilt; emitter-appended) ---
"""Pipeline reference for scband-graph-sage-31585189495318 (READ-ONLY COPY).

The authoritative reference and input builder live on the scoring server;
editing this copy changes nothing except your own understanding.
"""

import jax, jax.numpy as jnp
import numpy as np

N_NODES = 10000
D_IN = 128
D_HID = 128
D_OUT = 256
N_EDGES = 320000


def sage_conv(x, edge_index, W_l, b_l, W_r):
    # PyG SAGEConv(aggr='mean'): out = lin_l(mean_{j in N(i)} x_j) + lin_r(x_i)
    src = edge_index[0]
    dst = edge_index[1]
    n = x.shape[0]
    msgs = x[src]
    summed = jax.ops.segment_sum(msgs, dst, num_segments=n)
    counts = jax.ops.segment_sum(jnp.ones((msgs.shape[0],), dtype=x.dtype), dst, num_segments=n)
    mean = summed / jnp.clip(counts, 1.0, None)[:, None]
    return mean @ W_l.T + b_l + x @ W_r.T


def l2_normalize(x, eps=1e-12):
    norm = jnp.sqrt(jnp.sum(x * x, axis=1, keepdims=True))
    return x / jnp.maximum(norm, eps)


def setup_inputs(seed: int = 0) -> dict:
    key = jax.random.key(seed)
    ks = jax.random.split(key, 8)
    x = jax.random.normal(ks[0], (N_NODES, D_IN), dtype=jnp.float32)
    edge_index = jax.random.randint(ks[1], (2, N_EDGES), 0, N_NODES, dtype=jnp.int64)
    s1 = 1.0 / np.sqrt(D_IN)
    s2 = 1.0 / np.sqrt(D_HID)
    W1_l = jax.random.uniform(ks[2], (D_HID, D_IN), jnp.float32, -s1, s1)
    b1_l = jax.random.uniform(ks[3], (D_HID,), jnp.float32, -s1, s1)
    W1_r = jax.random.uniform(ks[4], (D_HID, D_IN), jnp.float32, -s1, s1)
    W2_l = jax.random.uniform(ks[5], (D_OUT, D_HID), jnp.float32, -s2, s2)
    b2_l = jax.random.uniform(ks[6], (D_OUT,), jnp.float32, -s2, s2)
    W2_r = jax.random.uniform(ks[7], (D_OUT, D_HID), jnp.float32, -s2, s2)
    return {"x": x, "edge_index": edge_index, "W1_l": W1_l, "b1_l": b1_l, "W1_r": W1_r, "W2_l": W2_l, "b2_l": b2_l, "W2_r": W2_r}


def reference(x, edge_index, W1_l, b1_l, W1_r, W2_l, b2_l, W2_r):
    h = sage_conv(x, edge_index, W1_l, b1_l, W1_r)
    # dropout is identity in eval mode
    h = jax.nn.sigmoid(h)
    h = l2_normalize(h)
    h = sage_conv(h, edge_index, W2_l, b2_l, W2_r)
    h = jax.nn.sigmoid(h)
    h = l2_normalize(h)
    return h

if __name__ == "__main__":
    import jax
    _d = setup_inputs()
    print(jax.jit(kernel)(*tuple(_d.values())))

</pallas_src>

<mosaic_0001>
#map = affine_map<(d0, d1) -> (0, 0)>
#map1 = affine_map<(d0, d1) -> (0)>
#map2 = affine_map<(d0, d1) -> (0, 0, 0)>
module attributes {stable_mosaic.version = 14 : i64} {
  func.func @_agg_counts(%arg0: i32, %arg1: i32, %arg2: memref<10000x128xf32, #tpu.memory_space<hbm>>, %arg3: memref<320000xi32, #tpu.memory_space<hbm>>, %arg4: memref<320000xi32, #tpu.memory_space<hbm>>, %arg5: memref<10240x128xf32, #tpu.memory_space<hbm>>, %arg6: memref<2x10240x128xf32, #tpu.memory_space<hbm>>, %arg7: memref<2x16x10240xf32, #tpu.memory_space<hbm>>, %arg8: memref<80xi32, #tpu.memory_space<vmem>>, %arg9: memref<80xi32, #tpu.memory_space<vmem>>, %arg10: memref<80x128xf32, #tpu.memory_space<vmem>>, %arg11: memref<10240xf32, #tpu.memory_space<vmem>>, %arg12: memref<10240x128xf32, #tpu.memory_space<vmem_shared>>, %arg13: memref<!tpu.dma_semaphore, #tpu.memory_space<semaphore_mem>>) attributes {dimension_semantics = [#tpu.dimension_semantics<core_parallel>, #tpu.dimension_semantics<subcore_parallel>], iteration_bounds = array<i64: 2, 16>, scalar_prefetch = 0 : i64, scratch_operands = 6 : i64, tpu.core_type = #tpu.core_type<sc_vector_subcore>, window_params = [{transform_indices = #map}, {transform_indices = #map1}, {transform_indices = #map1}, {transform_indices = #map}, {transform_indices = #map2}, {transform_indices = #map2}]} {
    %mul3A = arith.constant 160000 : i32
    %mul3A_0 = arith.muli %arg0, %mul3A : i32
    %mul3A_1 = arith.constant 10000 : i32
    %mul3A_2 = arith.muli %arg1, %mul3A_1 : i32
    %add3A = arith.addi %mul3A_0, %mul3A_2 : i32
    %mul3A_3 = arith.constant 640 : i32
    %mul3A_4 = arith.muli %arg1, %mul3A_3 : i32
    "tpu.region"() ({
      %run_scoped3A = tpu.sem_alloc : memref<!tpu.dma_semaphore, #tpu.memory_space<semaphore_mem>>
      %dma_start3A = arith.constant 0 : i32
      %dma_start3A_20 = tpu.memref_slice %arg12[%mul3A_4, %dma_start3A] : memref<10240x128xf32, #tpu.memory_space<vmem_shared>> -> memref<640x128xf32, #tpu.memory_space<vmem_shared>>
      %dma_start3A_21 = arith.constant 0 : i32
      %dma_start3A_22 = tpu.memref_slice %arg5[%mul3A_4, %dma_start3A_21] : memref<10240x128xf32, #tpu.memory_space<hbm>> -> memref<640x128xf32, #tpu.memory_space<hbm>>
      tpu.enqueue_dma source(%dma_start3A_22 : memref<640x128xf32, #tpu.memory_space<hbm>>) target(%dma_start3A_20 : memref<640x128xf32, #tpu.memory_space<vmem_shared>>) target_semaphore(%run_scoped3A : memref<!tpu.dma_semaphore, #tpu.memory_space<semaphore_mem>>)
      %dma_wait3A = arith.constant 0 : i32
      %dma_wait3A_23 = tpu.memref_slice %arg12[%mul3A_4, %dma_wait3A] : memref<10240x128xf32, #tpu.memory_space<vmem_shared>> -> memref<640x128xf32, #tpu.memory_space<vmem_shared>>
      %dma_wait3A_24 = arith.constant 0 : i32
      %dma_wait3A_25 = tpu.memref_slice %arg5[%mul3A_4, %dma_wait3A_24] : memref<10240x128xf32, #tpu.memory_space<hbm>> -> memref<640x128xf32, #tpu.memory_space<hbm>>
      tpu.wait_dma2 semaphore(%run_scoped3A : memref<!tpu.dma_semaphore, #tpu.memory_space<semaphore_mem>>) src(%dma_wait3A_25 : memref<640x128xf32, #tpu.memory_space<hbm>>) dst(%dma_wait3A_23 : memref<640x128xf32, #tpu.memory_space<vmem_shared>>)
      tpu.yield
    }) : () -> ()
    %broadcast_in_dim3A = arith.constant 0.000000e+00 : f32
    %broadcast_in_dim3A_5 = vector.broadcast %broadcast_in_dim3A : f32 to vector<16xf32>
    %scan3A = arith.constant 0 : i32
    %scan3A_6 = arith.constant 0 : i32
    %scan3A_7 = arith.constant 640 : i32
    %scan3A_8 = arith.addi %scan3A_6, %scan3A_7 : i32
    %scan3A_9 = arith.constant 1 : i32
    scf.for %scan3A_20 = %scan3A_6 to %scan3A_8 step %scan3A_9  : i32 {
      %mul3A_21 = arith.constant 16 : i32
      %mul3A_22 = arith.muli %scan3A_20, %mul3A_21 : i32
      %swap3A = arith.index_cast %mul3A_22 : i32 to index
      %swap3A_23 = tpu.vector_load %arg11[%swap3A] {strides = array<i32>} : memref<10240xf32, #tpu.memory_space<vmem>>, vector<16xf32>,
      tpu.vector_store %arg11[%swap3A], %broadcast_in_dim3A_5 {strides = array<i32>} : memref<10240xf32, #tpu.memory_space<vmem>>, vector<16xf32>,
    }
    %scan3A_10 = arith.constant 640 : i32
    %barrier3A = arith.constant 0 : index
    tpu.barrier barrier_id(%barrier3A)
    %broadcast_in_dim3A_11 = arith.constant 1.000000e+00 : f32
    %broadcast_in_dim3A_12 = vector.broadcast %broadcast_in_dim3A_11 : f32 to vector<16xf32>
    %scan3A_13 = arith.constant 0 : i32
    %scan3A_14 = arith.constant 0 : i32
    %scan3A_15 = arith.constant 125 : i32
    %scan3A_16 = arith.addi %scan3A_14, %scan3A_15 : i32
    %scan3A_17 = arith.constant 1 : i32
    scf.for %scan3A_20 = %scan3A_14 to %scan3A_16 step %scan3A_17  : i32 {
      %mul3A_21 = arith.constant 80 : i32
      %mul3A_22 = arith.muli %scan3A_20, %mul3A_21 : i32
      %add3A_23 = arith.addi %add3A, %mul3A_22 : i32
      "tpu.region"() ({
        %run_scoped3A = tpu.sem_alloc : memref<!tpu.dma_semaphore, #tpu.memory_space<semaphore_mem>>
        %dma_start3A_37 = tpu.memref_slice %arg3[%add3A_23] : memref<320000xi32, #tpu.memory_space<hbm>> -> memref<80xi32, #tpu.memory_space<hbm>>
        %dma_start3A_38 = tpu.memref_slice %arg3[%add3A_23] : memref<320000xi32, #tpu.memory_space<hbm>> -> memref<80xi32, #tpu.memory_space<hbm>>
        tpu.enqueue_dma source(%dma_start3A_38 : memref<80xi32, #tpu.memory_space<hbm>>) target(%arg8 : memref<80xi32, #tpu.memory_space<vmem>>) target_semaphore(%run_scoped3A : memref<!tpu.dma_semaphore, #tpu.memory_space<semaphore_mem>>)
        %dma_wait3A_39 = tpu.memref_slice %arg3[%add3A_23] : memref<320000xi32, #tpu.memory_space<hbm>> -> memref<80xi32, #tpu.memory_space<hbm>>
        %dma_wait3A_40 = tpu.memref_slice %arg3[%add3A_23] : memref<320000xi32, #tpu.memory_space<hbm>> -> memref<80xi32, #tpu.memory_space<hbm>>
        tpu.wait_dma2 semaphore(%run_scoped3A : memref<!tpu.dma_semaphore, #tpu.memory_space<semaphore_mem>>) src(%dma_wait3A_40 : memref<80xi32, #tpu.memory_space<hbm>>) dst(%arg8 : memref<80xi32, #tpu.memory_space<vmem>>)
        tpu.yield
      }) : () -> ()
      "tpu.region"() ({
        %run_scoped3A = tpu.sem_alloc : memref<!tpu.dma_semaphore, #tpu.memory_space<semaphore_mem>>
        %dma_start3A_37 = tpu.memref_slice %arg4[%add3A_23] : memref<320000xi32, #tpu.memory_space<hbm>> -> memref<80xi32, #tpu.memory_space<hbm>>
        %dma_start3A_38 = tpu.memref_slice %arg4[%add3A_23] : memref<320000xi32, #tpu.memory_space<hbm>> -> memref<80xi32, #tpu.memory_space<hbm>>
        tpu.enqueue_dma source(%dma_start3A_38 : memref<80xi32, #tpu.memory_space<hbm>>) target(%arg9 : memref<80xi32, #tpu.memory_space<vmem>>) target_semaphore(%run_scoped3A : memref<!tpu.dma_semaphore, #tpu.memory_space<semaphore_mem>>)
        %dma_wait3A_39 = tpu.memref_slice %arg4[%add3A_23] : memref<320000xi32, #tpu.memory_space<hbm>> -> memref<80xi32, #tpu.memory_space<hbm>>
        %dma_wait3A_40 = tpu.memref_slice %arg4[%add3A_23] : memref<320000xi32, #tpu.memory_space<hbm>> -> memref<80xi32, #tpu.memory_space<hbm>>
        tpu.wait_dma2 semaphore(%run_scoped3A : memref<!tpu.dma_semaphore, #tpu.memory_space<semaphore_mem>>) src(%dma_wait3A_40 : memref<80xi32, #tpu.memory_space<hbm>>) dst(%arg9 : memref<80xi32, #tpu.memory_space<vmem>>)
        tpu.yield
      }) : () -> ()
      %dma_start3A = arith.constant 0 : i32
      %dma_start3A_24 = arith.constant 0 : i32
      %dma_start3A_25 = tpu.memref_slice %arg2[%dma_start3A, %dma_start3A_24] : memref<10000x128xf32, #tpu.memory_space<hbm>> -> memref<10000x128xf32, #tpu.memory_space<hbm>>
      tpu.enqueue_indirect_dma source(%dma_start3A_25 : memref<10000x128xf32, #tpu.memory_space<hbm>>) target(%arg10 : memref<80x128xf32, #tpu.memory_space<vmem>>) offsets(%arg8 : memref<80xi32, #tpu.memory_space<vmem>>) semaphore(%arg13 : memref<!tpu.dma_semaphore, #tpu.memory_space<semaphore_mem>>)
      %dma_wait3A = arith.constant 0 : i32
      %dma_wait3A_26 = arith.constant 0 : i32
      %dma_wait3A_27 = tpu.memref_slice %arg2[%dma_wait3A, %dma_wait3A_26] : memref<10000x128xf32, #tpu.memory_space<hbm>> -> memref<10000x128xf32, #tpu.memory_space<hbm>>
      tpu.wait_indirect_dma semaphore(%arg13 : memref<!tpu.dma_semaphore, #tpu.memory_space<semaphore_mem>>) src(%dma_wait3A_27 : memref<10000x128xf32, #tpu.memory_space<hbm>>) dst(%arg10 : memref<80x128xf32, #tpu.memory_space<vmem>>)
      "tpu.region"() ({
        %run_scoped3A = tpu.sem_alloc : memref<!tpu.dma_semaphore, #tpu.memory_space<semaphore_mem>>
        %dma_start3A_37 = arith.constant 0 : i32
        %dma_start3A_38 = arith.constant 0 : i32
        %dma_start3A_39 = tpu.memref_slice %arg12[%dma_start3A_37, %dma_start3A_38] : memref<10240x128xf32, #tpu.memory_space<vmem_shared>> -> memref<10240x128xf32, #tpu.memory_space<vmem_shared>>
        tpu.enqueue_indirect_dma source(%arg10 : memref<80x128xf32, #tpu.memory_space<vmem>>) target(%dma_start3A_39 : memref<10240x128xf32, #tpu.memory_space<vmem_shared>>) offsets(%arg9 : memref<80xi32, #tpu.memory_space<vmem>>) semaphore(%run_scoped3A : memref<!tpu.dma_semaphore, #tpu.memory_space<semaphore_mem>>) {add = true}
        %dma_wait3A_40 = arith.constant 0 : i32
        %dma_wait3A_41 = arith.constant 0 : i32
        %dma_wait3A_42 = tpu.memref_slice %arg12[%dma_wait3A_40, %dma_wait3A_41] : memref<10240x128xf32, #tpu.memory_space<vmem_shared>> -> memref<10240x128xf32, #tpu.memory_space<vmem_shared>>
        tpu.wait_indirect_dma semaphore(%run_scoped3A : memref<!tpu.dma_semaphore, #tpu.memory_space<semaphore_mem>>) src(%arg10 : memref<80x128xf32, #tpu.memory_space<vmem>>) dst(%dma_wait3A_42 : memref<10240x128xf32, #tpu.memory_space<vmem_shared>>)
        tpu.yield
      }) : () -> ()
      %get3A = arith.constant 0 : index
      %get3A_28 = tpu.vector_load %arg9[%get3A] {strides = array<i32>} : memref<80xi32, #tpu.memory_space<vmem>>, vector<16xi32>,
      tpu.vector_store_idx %arg11[%get3A_28], %broadcast_in_dim3A_12 {add = true} : memref<10240xf32, #tpu.memory_space<vmem>>[vector<16xi32>], vector<16xf32>,
      %get3A_29 = arith.constant 16 : index
      %get3A_30 = tpu.vector_load %arg9[%get3A_29] {strides = array<i32>} : memref<80xi32, #tpu.memory_space<vmem>>, vector<16xi32>,
      tpu.vector_store_idx %arg11[%get3A_30], %broadcast_in_dim3A_12 {add = true} : memref<10240xf32, #tpu.memory_space<vmem>>[vector<16xi32>], vector<16xf32>,
      %get3A_31 = arith.constant 32 : index
      %get3A_32 = tpu.vector_load %arg9[%get3A_31] {strides = array<i32>} : memref<80xi32, #tpu.memory_space<vmem>>, vector<16xi32>,
      tpu.vector_store_idx %arg11[%get3A_32], %broadcast_in_dim3A_12 {add = true} : memref<10240xf32, #tpu.memory_space<vmem>>[vector<16xi32>], vector<16xf32>,
      %get3A_33 = arith.constant 48 : index
      %get3A_34 = tpu.vector_load %arg9[%get3A_33] {strides = array<i32>} : memref<80xi32, #tpu.memory_space<vmem>>, vector<16xi32>,
      tpu.vector_store_idx %arg11[%get3A_34], %broadcast_in_dim3A_12 {add = true} : memref<10240xf32, #tpu.memory_space<vmem>>[vector<16xi32>], vector<16xf32>,
      %get3A_35 = arith.constant 64 : index
      %get3A_36 = tpu.vector_load %arg9[%get3A_35] {strides = array<i32>} : memref<80xi32, #tpu.memory_space<vmem>>, vector<16xi32>,
      tpu.vector_store_idx %arg11[%get3A_36], %broadcast_in_dim3A_12 {add = true} : memref<10240xf32, #tpu.memory_space<vmem>>[vector<16xi32>], vector<16xf32>,
    }
    %scan3A_18 = arith.constant 125 : i32
    %barrier3A_19 = arith.constant 0 : index
    tpu.barrier barrier_id(%barrier3A_19)
    "tpu.region"() ({
      %run_scoped3A = tpu.sem_alloc : memref<!tpu.dma_semaphore, #tpu.memory_space<semaphore_mem>>
      %dma_start3A = arith.constant 0 : i32
      %dma_start3A_20 = tpu.memref_slice %arg6[%arg0, %mul3A_4, %dma_start3A] : memref<2x10240x128xf32, #tpu.memory_space<hbm>> -> memref<1x640x128xf32, #tpu.memory_space<hbm>>
      %dma_start3A_21 = tpu.memref_squeeze %dma_start3A_20 : memref<1x640x128xf32, #tpu.memory_space<hbm>> -> memref<640x128xf32, #tpu.memory_space<hbm>>
      %dma_start3A_22 = arith.constant 0 : i32
      %dma_start3A_23 = tpu.memref_slice %arg12[%mul3A_4, %dma_start3A_22] : memref<10240x128xf32, #tpu.memory_space<vmem_shared>> -> memref<640x128xf32, #tpu.memory_space<vmem_shared>>
      tpu.enqueue_dma source(%dma_start3A_23 : memref<640x128xf32, #tpu.memory_space<vmem_shared>>) target(%dma_start3A_21 : memref<640x128xf32, #tpu.memory_space<hbm>>) target_semaphore(%run_scoped3A : memref<!tpu.dma_semaphore, #tpu.memory_space<semaphore_mem>>)
      %dma_wait3A = arith.constant 0 : i32
      %dma_wait3A_24 = tpu.memref_slice %arg6[%arg0, %mul3A_4, %dma_wait3A] : memref<2x10240x128xf32, #tpu.memory_space<hbm>> -> memref<1x640x128xf32, #tpu.memory_space<hbm>>
      %dma_wait3A_25 = tpu.memref_squeeze %dma_wait3A_24 : memref<1x640x128xf32, #tpu.memory_space<hbm>> -> memref<640x128xf32, #tpu.memory_space<hbm>>
      %dma_wait3A_26 = arith.constant 0 : i32
      %dma_wait3A_27 = tpu.memref_slice %arg12[%mul3A_4, %dma_wait3A_26] : memref<10240x128xf32, #tpu.memory_space<vmem_shared>> -> memref<640x128xf32, #tpu.memory_space<vmem_shared>>
      tpu.wait_dma2 semaphore(%run_scoped3A : memref<!tpu.dma_semaphore, #tpu.memory_space<semaphore_mem>>) src(%dma_wait3A_27 : memref<640x128xf32, #tpu.memory_space<vmem_shared>>) dst(%dma_wait3A_25 : memref<640x128xf32, #tpu.memory_space<hbm>>)
      tpu.yield
    }) : () -> ()
    "tpu.region"() ({
      %run_scoped3A = tpu.sem_alloc : memref<!tpu.dma_semaphore, #tpu.memory_space<semaphore_mem>>
      %dma_start3A = arith.constant 0 : i32
      %dma_start3A_20 = tpu.memref_slice %arg7[%arg0, %arg1, %dma_start3A] : memref<2x16x10240xf32, #tpu.memory_space<hbm>> -> memref<1x1x10240xf32, #tpu.memory_space<hbm>>
      %dma_start3A_21 = tpu.memref_squeeze %dma_start3A_20 : memref<1x1x10240xf32, #tpu.memory_space<hbm>> -> memref<10240xf32, #tpu.memory_space<hbm>>
      %dma_start3A_22 = arith.constant 0 : i32
      %dma_start3A_23 = tpu.memref_slice %arg7[%arg0, %arg1, %dma_start3A_22] : memref<2x16x10240xf32, #tpu.memory_space<hbm>> -> memref<1x1x10240xf32, #tpu.memory_space<hbm>>
      %dma_start3A_24 = tpu.memref_squeeze %dma_start3A_23 : memref<1x1x10240xf32, #tpu.memory_space<hbm>> -> memref<10240xf32, #tpu.memory_space<hbm>>
      tpu.enqueue_dma source(%arg11 : memref<10240xf32, #tpu.memory_space<vmem>>) target(%dma_start3A_24 : memref<10240xf32, #tpu.memory_space<hbm>>) target_semaphore(%run_scoped3A : memref<!tpu.dma_semaphore, #tpu.memory_space<semaphore_mem>>)
      %dma_wait3A = arith.constant 0 : i32
      %dma_wait3A_25 = tpu.memref_slice %arg7[%arg0, %arg1, %dma_wait3A] : memref<2x16x10240xf32, #tpu.memory_space<hbm>> -> memref<1x1x10240xf32, #tpu.memory_space<hbm>>
      %dma_wait3A_26 = tpu.memref_squeeze %dma_wait3A_25 : memref<1x1x10240xf32, #tpu.memory_space<hbm>> -> memref<10240xf32, #tpu.memory_space<hbm>>
      %dma_wait3A_27 = arith.constant 0 : i32
      %dma_wait3A_28 = tpu.memref_slice %arg7[%arg0, %arg1, %dma_wait3A_27] : memref<2x16x10240xf32, #tpu.memory_space<hbm>> -> memref<1x1x10240xf32, #tpu.memory_space<hbm>>
      %dma_wait3A_29 = tpu.memref_squeeze %dma_wait3A_28 : memref<1x1x10240xf32, #tpu.memory_space<hbm>> -> memref<10240xf32, #tpu.memory_space<hbm>>
      tpu.wait_dma2 semaphore(%run_scoped3A : memref<!tpu.dma_semaphore, #tpu.memory_space<semaphore_mem>>) src(%arg11 : memref<10240xf32, #tpu.memory_space<vmem>>) dst(%dma_wait3A_29 : memref<10240xf32, #tpu.memory_space<hbm>>)
      tpu.yield
    }) : () -> ()
    return
  }
}

#map = affine_map<(d0, d1) -> (0, 0)>
#map1 = affine_map<(d0, d1) -> (0)>
#map2 = affine_map<(d0, d1) -> (0, 0, 0)>
module attributes {stable_mosaic.version = 14 : i64} {
  func.func @_agg(%arg0: i32, %arg1: i32, %arg2: memref<10240x128xf32, #tpu.memory_space<hbm>>, %arg3: memref<320000xi32, #tpu.memory_space<hbm>>, %arg4: memref<320000xi32, #tpu.memory_space<hbm>>, %arg5: memref<10240x128xf32, #tpu.memory_space<hbm>>, %arg6: memref<2x10240x128xf32, #tpu.memory_space<hbm>>, %arg7: memref<80xi32, #tpu.memory_space<vmem>>, %arg8: memref<80xi32, #tpu.memory_space<vmem>>, %arg9: memref<80x128xf32, #tpu.memory_space<vmem>>, %arg10: memref<10240x128xf32, #tpu.memory_space<vmem_shared>>, %arg11: memref<!tpu.dma_semaphore, #tpu.memory_space<semaphore_mem>>) attributes {dimension_semantics = [#tpu.dimension_semantics<core_parallel>, #tpu.dimension_semantics<subcore_parallel>], iteration_bounds = array<i64: 2, 16>, scalar_prefetch = 0 : i64, scratch_operands = 5 : i64, tpu.core_type = #tpu.core_type<sc_vector_subcore>, window_params = [{transform_indices = #map}, {transform_indices = #map1}, {transform_indices = #map1}, {transform_indices = #map}, {transform_indices = #map2}]} {
    %mul3A = arith.constant 160000 : i32
    %mul3A_0 = arith.muli %arg0, %mul3A : i32
    %mul3A_1 = arith.constant 10000 : i32
    %mul3A_2 = arith.muli %arg1, %mul3A_1 : i32
    %add3A = arith.addi %mul3A_0, %mul3A_2 : i32
    %mul3A_3 = arith.constant 640 : i32
    %mul3A_4 = arith.muli %arg1, %mul3A_3 : i32
    "tpu.region"() ({
      %run_scoped3A = tpu.sem_alloc : memref<!tpu.dma_semaphore, #tpu.memory_space<semaphore_mem>>
      %dma_start3A = arith.constant 0 : i32
      %dma_start3A_11 = tpu.memref_slice %arg10[%mul3A_4, %dma_start3A] : memref<10240x128xf32, #tpu.memory_space<vmem_shared>> -> memref<640x128xf32, #tpu.memory_space<vmem_shared>>
      %dma_start3A_12 = arith.constant 0 : i32
      %dma_start3A_13 = tpu.memref_slice %arg5[%mul3A_4, %dma_start3A_12] : memref<10240x128xf32, #tpu.memory_space<hbm>> -> memref<640x128xf32, #tpu.memory_space<hbm>>
      tpu.enqueue_dma source(%dma_start3A_13 : memref<640x128xf32, #tpu.memory_space<hbm>>) target(%dma_start3A_11 : memref<640x128xf32, #tpu.memory_space<vmem_shared>>) target_semaphore(%run_scoped3A : memref<!tpu.dma_semaphore, #tpu.memory_space<semaphore_mem>>)
      %dma_wait3A = arith.constant 0 : i32
      %dma_wait3A_14 = tpu.memref_slice %arg10[%mul3A_4, %dma_wait3A] : memref<10240x128xf32, #tpu.memory_space<vmem_shared>> -> memref<640x128xf32, #tpu.memory_space<vmem_shared>>
      %dma_wait3A_15 = arith.constant 0 : i32
      %dma_wait3A_16 = tpu.memref_slice %arg5[%mul3A_4, %dma_wait3A_15] : memref<10240x128xf32, #tpu.memory_space<hbm>> -> memref<640x128xf32, #tpu.memory_space<hbm>>
      tpu.wait_dma2 semaphore(%run_scoped3A : memref<!tpu.dma_semaphore, #tpu.memory_space<semaphore_mem>>) src(%dma_wait3A_16 : memref<640x128xf32, #tpu.memory_space<hbm>>) dst(%dma_wait3A_14 : memref<640x128xf32, #tpu.memory_space<vmem_shared>>)
      tpu.yield
    }) : () -> ()
    %barrier3A = arith.constant 0 : index
    tpu.barrier barrier_id(%barrier3A)
    %scan3A = arith.constant 0 : i32
    %scan3A_5 = arith.constant 0 : i32
    %scan3A_6 = arith.constant 125 : i32
    %scan3A_7 = arith.addi %scan3A_5, %scan3A_6 : i32
    %scan3A_8 = arith.constant 1 : i32
    scf.for %scan3A_11 = %scan3A_5 to %scan3A_7 step %scan3A_8  : i32 {
      %mul3A_12 = arith.constant 80 : i32
      %mul3A_13 = arith.muli %scan3A_11, %mul3A_12 : i32
      %add3A_14 = arith.addi %add3A, %mul3A_13 : i32
      "tpu.region"() ({
        %run_scoped3A = tpu.sem_alloc : memref<!tpu.dma_semaphore, #tpu.memory_space<semaphore_mem>>
        %dma_start3A_19 = tpu.memref_slice %arg3[%add3A_14] : memref<320000xi32, #tpu.memory_space<hbm>> -> memref<80xi32, #tpu.memory_space<hbm>>
        %dma_start3A_20 = tpu.memref_slice %arg3[%add3A_14] : memref<320000xi32, #tpu.memory_space<hbm>> -> memref<80xi32, #tpu.memory_space<hbm>>
        tpu.enqueue_dma source(%dma_start3A_20 : memref<80xi32, #tpu.memory_space<hbm>>) target(%arg7 : memref<80xi32, #tpu.memory_space<vmem>>) target_semaphore(%run_scoped3A : memref<!tpu.dma_semaphore, #tpu.memory_space<semaphore_mem>>)
        %dma_wait3A_21 = tpu.memref_slice %arg3[%add3A_14] : memref<320000xi32, #tpu.memory_space<hbm>> -> memref<80xi32, #tpu.memory_space<hbm>>
        %dma_wait3A_22 = tpu.memref_slice %arg3[%add3A_14] : memref<320000xi32, #tpu.memory_space<hbm>> -> memref<80xi32, #tpu.memory_space<hbm>>
        tpu.wait_dma2 semaphore(%run_scoped3A : memref<!tpu.dma_semaphore, #tpu.memory_space<semaphore_mem>>) src(%dma_wait3A_22 : memref<80xi32, #tpu.memory_space<hbm>>) dst(%arg7 : memref<80xi32, #tpu.memory_space<vmem>>)
        tpu.yield
      }) : () -> ()
      "tpu.region"() ({
        %run_scoped3A = tpu.sem_alloc : memref<!tpu.dma_semaphore, #tpu.memory_space<semaphore_mem>>
        %dma_start3A_19 = tpu.memref_slice %arg4[%add3A_14] : memref<320000xi32, #tpu.memory_space<hbm>> -> memref<80xi32, #tpu.memory_space<hbm>>
        %dma_start3A_20 = tpu.memref_slice %arg4[%add3A_14] : memref<320000xi32, #tpu.memory_space<hbm>> -> memref<80xi32, #tpu.memory_space<hbm>>
        tpu.enqueue_dma source(%dma_start3A_20 : memref<80xi32, #tpu.memory_space<hbm>>) target(%arg8 : memref<80xi32, #tpu.memory_space<vmem>>) target_semaphore(%run_scoped3A : memref<!tpu.dma_semaphore, #tpu.memory_space<semaphore_mem>>)
        %dma_wait3A_21 = tpu.memref_slice %arg4[%add3A_14] : memref<320000xi32, #tpu.memory_space<hbm>> -> memref<80xi32, #tpu.memory_space<hbm>>
        %dma_wait3A_22 = tpu.memref_slice %arg4[%add3A_14] : memref<320000xi32, #tpu.memory_space<hbm>> -> memref<80xi32, #tpu.memory_space<hbm>>
        tpu.wait_dma2 semaphore(%run_scoped3A : memref<!tpu.dma_semaphore, #tpu.memory_space<semaphore_mem>>) src(%dma_wait3A_22 : memref<80xi32, #tpu.memory_space<hbm>>) dst(%arg8 : memref<80xi32, #tpu.memory_space<vmem>>)
        tpu.yield
      }) : () -> ()
      %dma_start3A = arith.constant 0 : i32
      %dma_start3A_15 = arith.constant 0 : i32
      %dma_start3A_16 = tpu.memref_slice %arg2[%dma_start3A, %dma_start3A_15] : memref<10240x128xf32, #tpu.memory_space<hbm>> -> memref<10240x128xf32, #tpu.memory_space<hbm>>
      tpu.enqueue_indirect_dma source(%dma_start3A_16 : memref<10240x128xf32, #tpu.memory_space<hbm>>) target(%arg9 : memref<80x128xf32, #tpu.memory_space<vmem>>) offsets(%arg7 : memref<80xi32, #tpu.memory_space<vmem>>) semaphore(%arg11 : memref<!tpu.dma_semaphore, #tpu.memory_space<semaphore_mem>>)
      %dma_wait3A = arith.constant 0 : i32
      %dma_wait3A_17 = arith.constant 0 : i32
      %dma_wait3A_18 = tpu.memref_slice %arg2[%dma_wait3A, %dma_wait3A_17] : memref<10240x128xf32, #tpu.memory_space<hbm>> -> memref<10240x128xf32, #tpu.memory_space<hbm>>
      tpu.wait_indirect_dma semaphore(%arg11 : memref<!tpu.dma_semaphore, #tpu.memory_space<semaphore_mem>>) src(%dma_wait3A_18 : memref<10240x128xf32, #tpu.memory_space<hbm>>) dst(%arg9 : memref<80x128xf32, #tpu.memory_space<vmem>>)
      "tpu.region"() ({
        %run_scoped3A = tpu.sem_alloc : memref<!tpu.dma_semaphore, #tpu.memory_space<semaphore_mem>>
        %dma_start3A_19 = arith.constant 0 : i32
        %dma_start3A_20 = arith.constant 0 : i32
        %dma_start3A_21 = tpu.memref_slice %arg10[%dma_start3A_19, %dma_start3A_20] : memref<10240x128xf32, #tpu.memory_space<vmem_shared>> -> memref<10240x128xf32, #tpu.memory_space<vmem_shared>>
        tpu.enqueue_indirect_dma source(%arg9 : memref<80x128xf32, #tpu.memory_space<vmem>>) target(%dma_start3A_21 : memref<10240x128xf32, #tpu.memory_space<vmem_shared>>) offsets(%arg8 : memref<80xi32, #tpu.memory_space<vmem>>) semaphore(%run_scoped3A : memref<!tpu.dma_semaphore, #tpu.memory_space<semaphore_mem>>) {add = true}
        %dma_wait3A_22 = arith.constant 0 : i32
        %dma_wait3A_23 = arith.constant 0 : i32
        %dma_wait3A_24 = tpu.memref_slice %arg10[%dma_wait3A_22, %dma_wait3A_23] : memref<10240x128xf32, #tpu.memory_space<vmem_shared>> -> memref<10240x128xf32, #tpu.memory_space<vmem_shared>>
        tpu.wait_indirect_dma semaphore(%run_scoped3A : memref<!tpu.dma_semaphore, #tpu.memory_space<semaphore_mem>>) src(%arg9 : memref<80x128xf32, #tpu.memory_space<vmem>>) dst(%dma_wait3A_24 : memref<10240x128xf32, #tpu.memory_space<vmem_shared>>)
        tpu.yield
      }) : () -> ()
    }
    %scan3A_9 = arith.constant 125 : i32
    %barrier3A_10 = arith.constant 0 : index
    tpu.barrier barrier_id(%barrier3A_10)
    "tpu.region"() ({
      %run_scoped3A = tpu.sem_alloc : memref<!tpu.dma_semaphore, #tpu.memory_space<semaphore_mem>>
      %dma_start3A = arith.constant 0 : i32
      %dma_start3A_11 = tpu.memref_slice %arg6[%arg0, %mul3A_4, %dma_start3A] : memref<2x10240x128xf32, #tpu.memory_space<hbm>> -> memref<1x640x128xf32, #tpu.memory_space<hbm>>
      %dma_start3A_12 = tpu.memref_squeeze %dma_start3A_11 : memref<1x640x128xf32, #tpu.memory_space<hbm>> -> memref<640x128xf32, #tpu.memory_space<hbm>>
      %dma_start3A_13 = arith.constant 0 : i32
      %dma_start3A_14 = tpu.memref_slice %arg10[%mul3A_4, %dma_start3A_13] : memref<10240x128xf32, #tpu.memory_space<vmem_shared>> -> memref<640x128xf32, #tpu.memory_space<vmem_shared>>
      tpu.enqueue_dma source(%dma_start3A_14 : memref<640x128xf32, #tpu.memory_space<vmem_shared>>) target(%dma_start3A_12 : memref<640x128xf32, #tpu.memory_space<hbm>>) target_semaphore(%run_scoped3A : memref<!tpu.dma_semaphore, #tpu.memory_space<semaphore_mem>>)
      %dma_wait3A = arith.constant 0 : i32
      %dma_wait3A_15 = tpu.memref_slice %arg6[%arg0, %mul3A_4, %dma_wait3A] : memref<2x10240x128xf32, #tpu.memory_space<hbm>> -> memref<1x640x128xf32, #tpu.memory_space<hbm>>
      %dma_wait3A_16 = tpu.memref_squeeze %dma_wait3A_15 : memref<1x640x128xf32, #tpu.memory_space<hbm>> -> memref<640x128xf32, #tpu.memory_space<hbm>>
      %dma_wait3A_17 = arith.constant 0 : i32
      %dma_wait3A_18 = tpu.memref_slice %arg10[%mul3A_4, %dma_wait3A_17] : memref<10240x128xf32, #tpu.memory_space<vmem_shared>> -> memref<640x128xf32, #tpu.memory_space<vmem_shared>>
      tpu.wait_dma2 semaphore(%run_scoped3A : memref<!tpu.dma_semaphore, #tpu.memory_space<semaphore_mem>>) src(%dma_wait3A_18 : memref<640x128xf32, #tpu.memory_space<vmem_shared>>) dst(%dma_wait3A_16 : memref<640x128xf32, #tpu.memory_space<hbm>>)
      tpu.yield
    }) : () -> ()
    return
  }
}

module attributes {stable_mosaic.version = 14 : i64} {
  func.func @_dense_body(%arg0: i32, %arg1: memref<2x1024x128xf32, #tpu.memory_space<vmem>>, %arg2: memref<32x1024xf32, #tpu.memory_space<vmem>>, %arg3: memref<1024x128xf32, #tpu.memory_space<vmem>>, %arg4: memref<128x128xf32, #tpu.memory_space<vmem>>, %arg5: memref<1x128xf32, #tpu.memory_space<vmem>>, %arg6: memref<128x128xf32, #tpu.memory_space<vmem>>, %arg7: memref<1024x128xf32, #tpu.memory_space<vmem>>) attributes {dimension_semantics = [#tpu.dimension_semantics<arbitrary>], iteration_bounds = array<i64: 10>, scalar_prefetch = 0 : i64, scratch_operands = 0 : i64, tpu.core_type = #tpu.core_type<tc>, window_params = [{transform_indices = @transform_0, window_bounds = array<i64: 2, 1024, 128>}, {transform_indices = @transform_1, window_bounds = array<i64: 32, 1024>}, {transform_indices = @transform_2, window_bounds = array<i64: 1024, 128>}, {pipeline_mode = #tpu.pipeline_mode<synchronous>, transform_indices = @transform_3, window_bounds = array<i64: 128, 128>}, {pipeline_mode = #tpu.pipeline_mode<synchronous>, transform_indices = @transform_4, window_bounds = array<i64: 1, 128>}, {pipeline_mode = #tpu.pipeline_mode<synchronous>, transform_indices = @transform_5, window_bounds = array<i64: 128, 128>}, {transform_indices = @transform_6, window_bounds = array<i64: 1024, 128>}]} {
    %get3A = arith.constant 0 : index
    %get3A_0 = arith.constant 0 : index
    %get3A_1 = arith.constant 0 : index
    %get3A_2 = vector.load %arg1[%get3A, %get3A_0, %get3A_1] : memref<2x1024x128xf32, #tpu.memory_space<vmem>>, vector<1x1024x128xf32>
    %get3A_3 = vector.shape_cast %get3A_2 : vector<1x1024x128xf32> to vector<1024x128xf32>
    %get3A_4 = arith.constant 1 : index
    %get3A_5 = arith.constant 0 : index
    %get3A_6 = arith.constant 0 : index
    %get3A_7 = vector.load %arg1[%get3A_4, %get3A_5, %get3A_6] : memref<2x1024x128xf32, #tpu.memory_space<vmem>>, vector<1x1024x128xf32>
    %get3A_8 = vector.shape_cast %get3A_7 : vector<1x1024x128xf32> to vector<1024x128xf32>
    %add3A = arith.addf %get3A_3, %get3A_8 : vector<1024x128xf32>
    %get3A_9 = arith.constant 0 : index
    %get3A_10 = arith.constant 0 : index
    %get3A_11 = vector.load %arg2[%get3A_9, %get3A_10] : memref<32x1024xf32, #tpu.memory_space<vmem>>, vector<32x1024xf32>
    %reduce_sum3A = arith.constant dense<0.000000e+00> : vector<1024xf32>
    %reduce_sum3A_12 = vector.multi_reduction <add>, %get3A_11, %reduce_sum3A [0] : vector<32x1024xf32> to vector<1024xf32>
    %broadcast_in_dim3A = vector.shape_cast %reduce_sum3A_12 : vector<1024xf32> to vector<1024x1xf32>
    %max3A = arith.constant 1.000000e+00 : f32
    %max3A_13 = vector.broadcast %max3A : f32 to vector<1024x1xf32>
    %max3A_14 = arith.maximumf %broadcast_in_dim3A, %max3A_13 : vector<1024x1xf32>
    %div3A = vector.broadcast %max3A_14 : vector<1024x1xf32> to vector<1024x128xf32>
    %div3A_15 = arith.divf %add3A, %div3A : vector<1024x128xf32>
    %get3A_16 = arith.constant 0 : index
    %get3A_17 = arith.constant 0 : index
    %get3A_18 = vector.load %arg4[%get3A_16, %get3A_17] : memref<128x128xf32, #tpu.memory_space<vmem>>, vector<128x128xf32>
    %dot_general3A = arith.constant dense<0.000000e+00> : vector<1024x128xf32>
    %dot_general3A_19 = tpu.matmul %div3A_15, %get3A_18, %dot_general3A {dimension_numbers = #tpu.dot_dimension_numbers<[1], [0], [0], [1], [0, 0, 1, 1], [], []>, precision = #tpu.contract_precision<fp32>, transpose_lhs_hint = false} : vector<1024x128xf32>, vector<128x128xf32>, vector<1024x128xf32> -> vector<1024x128xf32>
    %get3A_20 = arith.constant 0 : index
    %get3A_21 = arith.constant 0 : index
    %get3A_22 = vector.load %arg5[%get3A_20, %get3A_21] : memref<1x128xf32, #tpu.memory_space<vmem>>, vector<1x128xf32>
    %add3A_23 = vector.broadcast %get3A_22 : vector<1x128xf32> to vector<1024x128xf32>
    %add3A_24 = arith.addf %dot_general3A_19, %add3A_23 : vector<1024x128xf32>
    %get3A_25 = arith.constant 0 : index
    %get3A_26 = arith.constant 0 : index
    %get3A_27 = vector.load %arg3[%get3A_25, %get3A_26] : memref<1024x128xf32, #tpu.memory_space<vmem>>, vector<1024x128xf32>
    %get3A_28 = arith.constant 0 : index
    %get3A_29 = arith.constant 0 : index
    %get3A_30 = vector.load %arg6[%get3A_28, %get3A_29] : memref<128x128xf32, #tpu.memory_space<vmem>>, vector<128x128xf32>
    %dot_general3A_31 = arith.constant dense<0.000000e+00> : vector<1024x128xf32>
    %dot_general3A_32 = tpu.matmul %get3A_27, %get3A_30, %dot_general3A_31 {dimension_numbers = #tpu.dot_dimension_numbers<[1], [0], [0], [1], [0, 0, 1, 1], [], []>, precision = #tpu.contract_precision<fp32>, transpose_lhs_hint = false} : vector<1024x128xf32>, vector<128x128xf32>, vector<1024x128xf32> -> vector<1024x128xf32>
    %add3A_33 = arith.addf %add3A_24, %dot_general3A_32 : vector<1024x128xf32>
    %logistic3A = arith.negf %add3A_33 : vector<1024x128xf32>
    %logistic3A_34 = math.exp %logistic3A : vector<1024x128xf32>
    %logistic3A_35 = arith.constant 1.000000e+00 : f32
    %logistic3A_36 = vector.broadcast %logistic3A_35 : f32 to vector<1024x128xf32>
    %logistic3A_37 = arith.addf %logistic3A_36, %logistic3A_34 : vector<1024x128xf32>
    %logistic3A_38 = arith.divf %logistic3A_36, %logistic3A_37 : vector<1024x128xf32>
    %mul3A = arith.mulf %logistic3A_38, %logistic3A_38 : vector<1024x128xf32>
    %reduce_sum3A_39 = arith.constant dense<0.000000e+00> : vector<1024xf32>
    %reduce_sum3A_40 = vector.multi_reduction <add>, %mul3A, %reduce_sum3A_39 [1] : vector<1024x128xf32> to vector<1024xf32>
    %broadcast_in_dim3A_41 = vector.shape_cast %reduce_sum3A_40 : vector<1024xf32> to vector<1024x1xf32>
    %sqrt3A = math.sqrt %broadcast_in_dim3A_41 : vector<1024x1xf32>
    %max3A_42 = arith.constant 9.99999996E-13 : f32
    %max3A_43 = vector.broadcast %max3A_42 : f32 to vector<1024x1xf32>
    %max3A_44 = arith.maximumf %sqrt3A, %max3A_43 : vector<1024x1xf32>
    %div3A_45 = vector.broadcast %max3A_44 : vector<1024x1xf32> to vector<1024x128xf32>
    %div3A_46 = arith.divf %logistic3A_38, %div3A_45 : vector<1024x128xf32>
    %swap3A = arith.constant 0 : index
    %swap3A_47 = arith.constant 0 : index
    %swap3A_48 = vector.load %arg7[%swap3A, %swap3A_47] : memref<1024x128xf32, #tpu.memory_space<vmem>>, vector<1024x128xf32>
    tpu.vector_store %arg7[%swap3A, %swap3A_47], %div3A_46 {strides = array<i32>} : memref<1024x128xf32, #tpu.memory_space<vmem>>, vector<1024x128xf32>,
    return
  }
  func.func @transform_0(%arg0: i32) -> (i32, i32, i32) {
    %c0_i32 = arith.constant 0 : i32
    %c0_i32_0 = arith.constant 0 : i32
    %c0_i32_1 = arith.constant 0 : i32
    return %c0_i32, %arg0, %c0_i32_0 : i32, i32, i32
  }
  func.func @transform_1(%arg0: i32) -> (i32, i32) {
    %c0_i32 = arith.constant 0 : i32
    %c0_i32_0 = arith.constant 0 : i32
    return %c0_i32, %arg0 : i32, i32
  }
  func.func @transform_2(%arg0: i32) -> (i32, i32) {
    %c0_i32 = arith.constant 0 : i32
    %c0_i32_0 = arith.constant 0 : i32
    return %arg0, %c0_i32 : i32, i32
  }
  func.func @transform_3(%arg0: i32) -> (i32, i32) {
    %c0_i32 = arith.constant 0 : i32
    %c0_i32_0 = arith.constant 0 : i32
    %c0_i32_1 = arith.constant 0 : i32
    return %c0_i32, %c0_i32_0 : i32, i32
  }
  func.func @transform_4(%arg0: i32) -> (i32, i32) {
    %c0_i32 = arith.constant 0 : i32
    %c0_i32_0 = arith.constant 0 : i32
    %c0_i32_1 = arith.constant 0 : i32
    return %c0_i32, %c0_i32_0 : i32, i32
  }
  func.func @transform_5(%arg0: i32) -> (i32, i32) {
    %c0_i32 = arith.constant 0 : i32
    %c0_i32_0 = arith.constant 0 : i32
    %c0_i32_1 = arith.constant 0 : i32
    return %c0_i32, %c0_i32_0 : i32, i32
  }
  func.func @transform_6(%arg0: i32) -> (i32, i32) {
    %c0_i32 = arith.constant 0 : i32
    %c0_i32_0 = arith.constant 0 : i32
    return %arg0, %c0_i32 : i32, i32
  }
}

module attributes {stable_mosaic.version = 14 : i64} {
  func.func @_dense_body(%arg0: i32, %arg1: memref<2x1024x128xf32, #tpu.memory_space<vmem>>, %arg2: memref<32x1024xf32, #tpu.memory_space<vmem>>, %arg3: memref<1024x128xf32, #tpu.memory_space<vmem>>, %arg4: memref<128x256xf32, #tpu.memory_space<vmem>>, %arg5: memref<1x256xf32, #tpu.memory_space<vmem>>, %arg6: memref<128x256xf32, #tpu.memory_space<vmem>>, %arg7: memref<1024x256xf32, #tpu.memory_space<vmem>>) attributes {dimension_semantics = [#tpu.dimension_semantics<arbitrary>], iteration_bounds = array<i64: 10>, scalar_prefetch = 0 : i64, scratch_operands = 0 : i64, tpu.core_type = #tpu.core_type<tc>, window_params = [{transform_indices = @transform_0, window_bounds = array<i64: 2, 1024, 128>}, {transform_indices = @transform_1, window_bounds = array<i64: 32, 1024>}, {transform_indices = @transform_2, window_bounds = array<i64: 1024, 128>}, {pipeline_mode = #tpu.pipeline_mode<synchronous>, transform_indices = @transform_3, window_bounds = array<i64: 128, 256>}, {pipeline_mode = #tpu.pipeline_mode<synchronous>, transform_indices = @transform_4, window_bounds = array<i64: 1, 256>}, {pipeline_mode = #tpu.pipeline_mode<synchronous>, transform_indices = @transform_5, window_bounds = array<i64: 128, 256>}, {transform_indices = @transform_6, window_bounds = array<i64: 1024, 256>}]} {
    %get3A = arith.constant 0 : index
    %get3A_0 = arith.constant 0 : index
    %get3A_1 = arith.constant 0 : index
    %get3A_2 = vector.load %arg1[%get3A, %get3A_0, %get3A_1] : memref<2x1024x128xf32, #tpu.memory_space<vmem>>, vector<1x1024x128xf32>
    %get3A_3 = vector.shape_cast %get3A_2 : vector<1x1024x128xf32> to vector<1024x128xf32>
    %get3A_4 = arith.constant 1 : index
    %get3A_5 = arith.constant 0 : index
    %get3A_6 = arith.constant 0 : index
    %get3A_7 = vector.load %arg1[%get3A_4, %get3A_5, %get3A_6] : memref<2x1024x128xf32, #tpu.memory_space<vmem>>, vector<1x1024x128xf32>
    %get3A_8 = vector.shape_cast %get3A_7 : vector<1x1024x128xf32> to vector<1024x128xf32>
    %add3A = arith.addf %get3A_3, %get3A_8 : vector<1024x128xf32>
    %get3A_9 = arith.constant 0 : index
    %get3A_10 = arith.constant 0 : index
    %get3A_11 = vector.load %arg2[%get3A_9, %get3A_10] : memref<32x1024xf32, #tpu.memory_space<vmem>>, vector<32x1024xf32>
    %reduce_sum3A = arith.constant dense<0.000000e+00> : vector<1024xf32>
    %reduce_sum3A_12 = vector.multi_reduction <add>, %get3A_11, %reduce_sum3A [0] : vector<32x1024xf32> to vector<1024xf32>
    %broadcast_in_dim3A = vector.shape_cast %reduce_sum3A_12 : vector<1024xf32> to vector<1024x1xf32>
    %max3A = arith.constant 1.000000e+00 : f32
    %max3A_13 = vector.broadcast %max3A : f32 to vector<1024x1xf32>
    %max3A_14 = arith.maximumf %broadcast_in_dim3A, %max3A_13 : vector<1024x1xf32>
    %div3A = vector.broadcast %max3A_14 : vector<1024x1xf32> to vector<1024x128xf32>
    %div3A_15 = arith.divf %add3A, %div3A : vector<1024x128xf32>
    %get3A_16 = arith.constant 0 : index
    %get3A_17 = arith.constant 0 : index
    %get3A_18 = vector.load %arg4[%get3A_16, %get3A_17] : memref<128x256xf32, #tpu.memory_space<vmem>>, vector<128x256xf32>
    %dot_general3A = arith.constant dense<0.000000e+00> : vector<1024x256xf32>
    %dot_general3A_19 = tpu.matmul %div3A_15, %get3A_18, %dot_general3A {dimension_numbers = #tpu.dot_dimension_numbers<[1], [0], [0], [1], [0, 0, 1, 1], [], []>, precision = #tpu.contract_precision<fp32>, transpose_lhs_hint = false} : vector<1024x128xf32>, vector<128x256xf32>, vector<1024x256xf32> -> vector<1024x256xf32>
    %get3A_20 = arith.constant 0 : index
    %get3A_21 = arith.constant 0 : index
    %get3A_22 = vector.load %arg5[%get3A_20, %get3A_21] : memref<1x256xf32, #tpu.memory_space<vmem>>, vector<1x256xf32>
    %add3A_23 = vector.broadcast %get3A_22 : vector<1x256xf32> to vector<1024x256xf32>
    %add3A_24 = arith.addf %dot_general3A_19, %add3A_23 : vector<1024x256xf32>
    %get3A_25 = arith.constant 0 : index
    %get3A_26 = arith.constant 0 : index
    %get3A_27 = vector.load %arg3[%get3A_25, %get3A_26] : memref<1024x128xf32, #tpu.memory_space<vmem>>, vector<1024x128xf32>
    %get3A_28 = arith.constant 0 : index
    %get3A_29 = arith.constant 0 : index
    %get3A_30 = vector.load %arg6[%get3A_28, %get3A_29] : memref<128x256xf32, #tpu.memory_space<vmem>>, vector<128x256xf32>
    %dot_general3A_31 = arith.constant dense<0.000000e+00> : vector<1024x256xf32>
    %dot_general3A_32 = tpu.matmul %get3A_27, %get3A_30, %dot_general3A_31 {dimension_numbers = #tpu.dot_dimension_numbers<[1], [0], [0], [1], [0, 0, 1, 1], [], []>, precision = #tpu.contract_precision<fp32>, transpose_lhs_hint = false} : vector<1024x128xf32>, vector<128x256xf32>, vector<1024x256xf32> -> vector<1024x256xf32>
    %add3A_33 = arith.addf %add3A_24, %dot_general3A_32 : vector<1024x256xf32>
    %logistic3A = arith.negf %add3A_33 : vector<1024x256xf32>
    %logistic3A_34 = math.exp %logistic3A : vector<1024x256xf32>
    %logistic3A_35 = arith.constant 1.000000e+00 : f32
    %logistic3A_36 = vector.broadcast %logistic3A_35 : f32 to vector<1024x256xf32>
    %logistic3A_37 = arith.addf %logistic3A_36, %logistic3A_34 : vector<1024x256xf32>
    %logistic3A_38 = arith.divf %logistic3A_36, %logistic3A_37 : vector<1024x256xf32>
    %mul3A = arith.mulf %logistic3A_38, %logistic3A_38 : vector<1024x256xf32>
    %reduce_sum3A_39 = arith.constant dense<0.000000e+00> : vector<1024xf32>
    %reduce_sum3A_40 = vector.multi_reduction <add>, %mul3A, %reduce_sum3A_39 [1] : vector<1024x256xf32> to vector<1024xf32>
    %broadcast_in_dim3A_41 = vector.shape_cast %reduce_sum3A_40 : vector<1024xf32> to vector<1024x1xf32>
    %sqrt3A = math.sqrt %broadcast_in_dim3A_41 : vector<1024x1xf32>
    %max3A_42 = arith.constant 9.99999996E-13 : f32
    %max3A_43 = vector.broadcast %max3A_42 : f32 to vector<1024x1xf32>
    %max3A_44 = arith.maximumf %sqrt3A, %max3A_43 : vector<1024x1xf32>
    %div3A_45 = vector.broadcast %max3A_44 : vector<1024x1xf32> to vector<1024x256xf32>
    %div3A_46 = arith.divf %logistic3A_38, %div3A_45 : vector<1024x256xf32>
    %swap3A = arith.constant 0 : index
    %swap3A_47 = arith.constant 0 : index
    %swap3A_48 = vector.load %arg7[%swap3A, %swap3A_47] : memref<1024x256xf32, #tpu.memory_space<vmem>>, vector<1024x256xf32>
    tpu.vector_store %arg7[%swap3A, %swap3A_47], %div3A_46 {strides = array<i32>} : memref<1024x256xf32, #tpu.memory_space<vmem>>, vector<1024x256xf32>,
    return
  }
  func.func @transform_0(%arg0: i32) -> (i32, i32, i32) {
    %c0_i32 = arith.constant 0 : i32
    %c0_i32_0 = arith.constant 0 : i32
    %c0_i32_1 = arith.constant 0 : i32
    return %c0_i32, %arg0, %c0_i32_0 : i32, i32, i32
  }
  func.func @transform_1(%arg0: i32) -> (i32, i32) {
    %c0_i32 = arith.constant 0 : i32
    %c0_i32_0 = arith.constant 0 : i32
    return %c0_i32, %arg0 : i32, i32
  }
  func.func @transform_2(%arg0: i32) -> (i32, i32) {
    %c0_i32 = arith.constant 0 : i32
    %c0_i32_0 = arith.constant 0 : i32
    return %arg0, %c0_i32 : i32, i32
  }
  func.func @transform_3(%arg0: i32) -> (i32, i32) {
    %c0_i32 = arith.constant 0 : i32
    %c0_i32_0 = arith.constant 0 : i32
    %c0_i32_1 = arith.constant 0 : i32
    return %c0_i32, %c0_i32_0 : i32, i32
  }
  func.func @transform_4(%arg0: i32) -> (i32, i32) {
    %c0_i32 = arith.constant 0 : i32
    %c0_i32_0 = arith.constant 0 : i32
    %c0_i32_1 = arith.constant 0 : i32
    return %c0_i32, %c0_i32_0 : i32, i32
  }
  func.func @transform_5(%arg0: i32) -> (i32, i32) {
    %c0_i32 = arith.constant 0 : i32
    %c0_i32_0 = arith.constant 0 : i32
    %c0_i32_1 = arith.constant 0 : i32
    return %c0_i32, %c0_i32_0 : i32, i32
  }
  func.func @transform_6(%arg0: i32) -> (i32, i32) {
    %c0_i32 = arith.constant 0 : i32
    %c0_i32_0 = arith.constant 0 : i32
    return %arg0, %c0_i32 : i32, i32
  }
}

</mosaic_0001>

<sc_bundles>
// kernel: kernel.6.cloned.1.call-start
scs
__scs_entry_jumppad:
0x0: {  	(pc) =	sbr.rel $0x88, $3  }
0x1: {  	(tag) =	ssettag $0x0;
	lr =	simm.s32 $0x1  }
0x2: {  	[smem:$0x3F99] =	sst lr;
	_ =	strace $0xD0000000  }
0x3: {  	_ = 	snop  }
0x4: {  	_ = 	snop  }
0x5: {  	_ = 	snop  }
0x6: {  	_ = 	snop  }
0x7: {  	_ = 	snop  }
__scs_overlays_trampoline_lowered:
0x8: {  	[smem:$0x3FA8] =	sst s0  }
0x9: {  	[smem:$0x3FA9] =	sst s1  }
0xa: {  	[smem:$0x3FAA] =	sst s2  }
0xb: {  	[smem:$0x3FAB] =	sst s3  }
0xc: {  	[smem:$0x3FAC] =	sst s4  }
0xd: {  	[smem:$0x3FAD] =	sst s5  }
0xe: {  	[smem:$0x3FAE] =	sst s6  }
0xf: {  	[smem:$0x3FAF] =	sst s7  }
0x10: {  	[smem:$0x3FB0] =	sst s8  }
0x11: {  	[smem:$0x3FB1] =	sst s9;
	s0 =	simm.s32 @!p0 $0x0  }
0x12: {  	s1 =	sld [smem:$0x3F97];
	s0 =	simm.s32 @p0 $0x1  }
0x13: {  	[smem:$0x3FB2] =	sst s0;
	s0 =	simm.s32 @!p1 $0x0  }
0x14: {  	s2 =	sld [smem:$0x3F96];
	s0 =	simm.s32 @p1 $0x1  }
0x15: {  	[smem:$0x3FB3] =	sst s0;
	s0 =	simm.s32 @!p2 $0x0  }
0x16: {  	s3 =	sld [smem:$0x3FDB];
	s0 =	simm.s32 @p2 $0x1  }
0x17: {  	s4 =	simm.s32 $0x1BF5;
	[smem:$0x3FB5] =	sst s0  }
0x18: {  	s0 =	sld [smem:$0x3F98];
	_ =	swait.ge [sflag:s4], $0x0  }
0x19: {  	s7 =	sld [smem:$0x3F99]  }
0x1a: {  	s8 =	sadd.s32 $0xFFFFE003, lr  }
0x1b: {  	s9 =	sadd.s32 $0xFFFFFEF7, lr;
	s5 =	simm.s32 $0xFFFFFFFF;
	p2 =	slt.u32 s8, $0xFFFFF086  }
0x1c: {  	p1 =	slt.u32 s9, $0xF7A;
	s5 =	simm.s32 @!p2 $0x0  }
0x1d: {  	s5 =	simm.s32 @p1 $0x1;
	p0 =	seq.s32 s7, s2  }
0x1e: {  	s7 =	smul.u32 @!p0 $0xF7A, s2;
	p2 =	seq.s32 @!p0 s5, $0x0  }
0x1f: {  	s9 =	smul.u32 $0xF7A, s1;
	s8 =	simm.s32 @!p0 $0x1BF5;
	p2 =	por !p2, p0  }
0x20: {  	[sflag:s8] =	ssyncset.s32 @!p0 $0xFFFFF086;
	s6 =	sadd.s32 @!p0 s3, s7;
	s7 =	simm.s32 @!p0 $0x108  }
0x21: {  	s3 =	sadd.s32 s3, s9;
	s6 =	sadd.s32 @!p0 $0x88, s6;
	s7 =	simm.s32 @p2 $0x1082  }
0x22: {  	[simem:s7], [sflag:s8] =	dma.local @!p0 [hbm:s6], $0xF7A  }
0x23: {  	s9 =	sor.u32 $0xD0000000, s2;
	s6 =	simm.s32 $0x108;
	_ =	swait.ge @!p0 [sflag:s8], $0x0  }
0x24: {  	s3 =	sadd.s32 $0x88, s3;
	s6 =	simm.s32 @!p1 $0x1082;
	[sflag:s4] =	ssyncset.s32 $0xFFFFF086  }
0x25: {  	[simem:s6], [sflag:s4] =	dma.local [hbm:s3], $0xF7A  }
0x26: {  	[smem:$0x3F99] =	sst s1;
	(tag) =	ssettag s2;
	_ =	strace s9  }
0x27: {  	s1 =	sld [smem:$0x3FA9]  }
0x28: {  	s2 =	sld [smem:$0x3FAA]  }
0x29: {  	s4 =	sld [smem:$0x3FAC]  }
0x2a: {  	p0 =	seq.s32 s5, $0x0;
	s5 =	sld [smem:$0x3FAD]  }
0x2b: {  	s6 =	sld [smem:$0x3FAE]  }
0x2c: {  	s7 =	sld [smem:$0x3FAF]  }
0x2d: {  	s3 =	simm.s32 $0x108;
	s8 =	sld [smem:$0x3FB0]  }
0x2e: {  	s3 =	simm.s32 @!p0 $0x1082;
	s9 =	sld [smem:$0x3FB1]  }
0x2f: {  	lr =	sadd.s32 s0, s3;
	s0 =	sld [smem:$0x3FA8]  }
0x30: {  	s3 =	sld [smem:$0x3FAB]  }
0x31: {  	[smem:$0x3FB4] =	sst s10  }
0x32: {  	s10 =	sld [smem:$0x3FB2];
	_ =	sdelay $0x3  }
0x33: {  	p0 =	seq.s32 s10, $0x1;
	s10 =	sld [smem:$0x3FB4];
	_ =	sdelay $0x3  }
0x34: {  	[smem:$0x3FB4] =	sst s10  }
0x35: {  	s10 =	sld [smem:$0x3FB3];
	_ =	sdelay $0x3  }
0x36: {  	p1 =	seq.s32 s10, $0x1;
	s10 =	sld [smem:$0x3FB4];
	_ =	sdelay $0x3  }
0x37: {  	[smem:$0x3FB4] =	sst s10  }
0x38: {  	s10 =	sld [smem:$0x3FB5]  }
0x39: {  	_ = 	snop;
	(pc) =	sbr.ind lr, $3  }
0x3a: {  	_ = 	snop  }
0x3b: {  	_ = 	snop  }
0x3c: {  	p2 =	seq.s32 s10, $0x1;
	s10 =	sld [smem:$0x3FB4]  }
0x3d: {  	_ =	shalt  }
0x3e: {  	_ =	shalt  }
0x3f: {  	_ =	shalt  }
0x40: {  	_ =	shalt  }
0x41: {  	_ =	shalt  }
0x42: {  	_ =	shalt  }
0x43: {  	_ =	shalt  }
0x44: {  	_ =	shalt  }
0x45: {  	_ =	shalt  }
0x46: {  	_ =	shalt  }
0x47: {  	_ =	shalt  }
0x48: {  	_ =	shalt  }
0x49: {  	_ =	shalt  }
0x4a: {  	_ =	shalt  }
0x4b: {  	_ =	shalt  }
0x4c: {  	_ =	shalt  }
0x4d: {  	_ =	shalt  }
0x4e: {  	_ =	shalt  }
0x4f: {  	_ =	shalt  }
0x50: {  	_ =	shalt  }
0x51: {  	_ =	shalt  }
0x52: {  	_ =	shalt  }
0x53: {  	_ =	shalt  }
0x54: {  	_ =	shalt  }
0x55: {  	_ =	shalt  }
0x56: {  	_ =	shalt  }
0x57: {  	_ =	shalt  }
0x58: {  	_ =	shalt  }
0x59: {  	_ =	shalt  }
0x5a: {  	_ =	shalt  }
0x5b: {  	_ =	shalt  }
0x5c: {  	_ =	shalt  }
0x5d: {  	_ =	shalt  }
0x5e: {  	_ =	shalt  }
0x5f: {  	_ =	shalt  }
0x60: {  	_ =	shalt  }
0x61: {  	_ =	shalt  }
0x62: {  	_ =	shalt  }
0x63: {  	_ =	shalt  }
0x64: {  	_ =	shalt  }
0x65: {  	_ =	shalt  }
0x66: {  	_ =	shalt  }
0x67: {  	_ =	shalt  }
0x68: {  	_ =	shalt  }
0x69: {  	_ =	shalt  }
0x6a: {  	_ =	shalt  }
0x6b: {  	_ =	shalt  }
0x6c: {  	_ =	shalt  }
0x6d: {  	_ =	shalt  }
0x6e: {  	_ =	shalt  }
0x6f: {  	_ =	shalt  }
0x70: {  	_ =	shalt  }
0x71: {  	_ =	shalt  }
0x72: {  	_ =	shalt  }
0x73: {  	_ =	shalt  }
0x74: {  	_ =	shalt  }
0x75: {  	_ =	shalt  }
0x76: {  	_ =	shalt  }
0x77: {  	_ =	shalt  }
0x78: {  	_ =	shalt  }
0x79: {  	_ =	shalt  }
0x7a: {  	_ =	shalt  }
0x7b: {  	_ =	shalt  }
0x7c: {  	_ =	shalt  }
0x7d: {  	_ =	shalt  }
0x7e: {  	_ =	shalt  }
0x7f: {  	_ =	shalt  }
0x80: {  	_ =	shalt  }
0x81: {  	_ =	shalt  }
0x82: {  	_ =	shalt  }
0x83: {  	_ =	shalt  }
0x84: {  	_ =	shalt  }
0x85: {  	_ =	shalt  }
0x86: {  	_ =	shalt  }
0x87: {  	_ =	shalt  }
.Lfunc_end0:
.L_simem_size_0:
called_computation_lowered:
.L_overlay_start_0:
0x88: {  	s2 =	sld [smem:$0x3FD9]  }
0x89: {  	s3 =	sld [smem:$0x3FFE];
	_ =	sdelay $0x1  }
0x8a: {  	s1 =	srdreg.scid  }
0x8b: {  	s0 =	sand.u32 $0x1, s1  }
0x8c: {  	s17 =	sshll.u32 s0, $0xA;
	s2 =	sadd.s32 s3, s2  }
0x8d: {  	s2 =	sadd.s32 s2, s17  }
0x8e: {  	[smem:$0x3FC0] =	sst s2  }
0x8f: {  	_ = 	snop  }
0x90: {  	s2 =	sld [smem:$0x3FC9]  }
0x91: {  	s18 =	sld [smem:$0x3FD0];
	(tm) =	ssettm $0x1  }
0x92: {  	s4 =	sld [smem:$0x3FFB];
	_ =	sdelay $0x3  }
0x93: {  	_ =	strace s4  }
0x94: {  	s4 =	sld [smem:$0x3FFC];
	_ =	sdelay $0x3  }
0x95: {  	_ =	strace s4  }
0x96: {  	s4 =	sld [smem:$0x3FFD];
	_ =	sdelay $0x3  }
0x97: {  	_ =	strace s4  }
0x98: {  	_ =	strace $0x8FFFFFFF  }
0x99: {  	s19 =	sld [smem:$0x3FDB];
	_ =	sdelay $0x1  }
0x9a: {  	s5 =	simm.s32 $_scs_section_size  }
0x9b: {  	s6 =	simm.s32 $_size__tile_overlayer_lowered;
	s7 =	simm.s32 $_tile_overlayer_lowered  }
0x9c: {  	s22 =	simm.s32 $0x1BFF;
	s21 =	sshll.u32 s7, $0x1;
	s4 =	sadd.s32 s5, s19  }
0x9d: {  	s8 =	simm.s32 $0x0;
	s20 =	sshll.u32 s6, $0x1;
	s6 =	sadd.s32 s21, s4  }
0x9e: {  	[timem:s8], [sflag:s22] =	dma.local [hbm:s6], s20  }
0x9f: {  	_ =	swait.ge [sflag:s22], s20  }
0xa0: {  	s5 =	ssub.s32 $0x0, s20;
	[sflag:s22] =	ssyncset.done $0x0  }
0xa1: {  	[sflag:s22] =	ssyncadd.s32 s5;
	_ =	sdelay $0x1  }
0xa2: {  	s23 =	simm.s32 $0x1B8B  }
0xa3: {  	_ =	swait.ge [sflag:s23], $0x1  }
0xa4: {  	[sflag:s23] =	ssyncset.done $0x0  }
0xa5: {  	s25 =	simm.s32 $0x1B8E;
	s24 =	sld [smem:$0x3FFE];
	[sflag:s23] =	ssyncadd.s32 $0xFFFFFFFF  }
0xa6: {  	s26 =	simm.s32 $execute0_lowered;
	[smem:$0x3FD2] =	sst s25  }
0xa7: {  	s6 =	sshll.u32 s26, $0x1;
	_ =	strace $0x80000046;
	[dreg:$0x1] =	wrdreg $0xFFFFFFFF  }
0xa8: {  	s28 =	simm.s32 $_size_execute0_lowered;
	s4 =	sadd.s32 s4, s6;
	[dreg:$0x0] =	wrdreg $0x0  }
0xa9: {  	s6 =	sshll.u32 s28, $0x1;
	[dreg:$0x2] =	wrdreg s4  }
0xaa: {  	[dreg:$0x3] =	wrdreg s6  }
0xab: {  	[dreg:$0x4] =	wrdreg $0xC0  }
0xac: {  	_ =	task [dreg:s8], $0x5FFFF  }
0xad: {  	[dreg:$0x1] =	wrdreg $0xFFFFFFFF  }
0xae: {  	[dreg:$0x0] =	wrdreg $0x60  }
0xaf: {  	[dreg:$0x2] =	wrdreg s2  }
0xb0: {  	[dreg:$0x3] =	wrdreg s24  }
0xb1: {  	[dreg:$0x4] =	wrdreg s18  }
0xb2: {  	[dreg:$0x5] =	wrdreg $0x51000  }
0xb3: {  	[dreg:$0x6] =	wrdreg $0x9  }
0xb4: {  	_ =	task.clear_ibuf [dreg:s8], $0x7FFFF;
	_ =	strace $0x90000046  }
0xb5: {  	s29 =	simm.s32 $0x9;
	_ =	strace $0x80000048  }
0xb6: {  	_ =	swait.ge [sflag:s29], $0x1  }
0xb7: {  	[sflag:s29] =	ssyncadd.s32 $0xFFFFFFFF  }
0xb8: {  	_ =	strace $0x90000048  }
0xb9: {  	_ =	sfence  }
0xba: {  	s30 =	sld [smem:$0x0];
	_ =	sdelay $0x2  }
0xbb: {  	s31 =	sshll.u32 s1, $0xD;
	s1 =	sshrl.u32 s1, $0x2  }
0xbc: {  	s3 =	sand.u32 $0x4000, s31;
	s1 =	sadd.s32 s1, s30  }
0xbd: {  	s0 =	sor.u32 s3, s0;
	s1 =	sshll.u32 s1, $0x11  }
0xbe: {  	s0 =	sor.u32 s1, s0  }
0xbf: {  	s0 =	sadd.s32 $0x8F2B, s0  }
0xc0: {  	[sflag:s0] =	ssyncadd.remote.s32 $0x1  }
0xc1: {  	_ =	sfence.sel $0xFFFF  }
0xc2: {  	[dreg:$0x0] =	wrdreg $0xFFFFFFFF;
	(pc) =	sbr.abs _section_cstart, $3  }
0xc3: {  	[dreg:$0x1] =	wrdreg $0xFFFFFFFF  }
0xc4: {  	_ =	task.clear_ibuf [dreg:s8], $0x2FFFF;
	_ =	strace $0x9FFFFFFF  }
0xc5: {  	(tm) =	ssettm $0x7FFFFFFF  }
tec
execute0_lowered:
.L_overlay_start_1:
0x0: {  	(tag) =	ssettag $0x1  }
0x1: {  	s1 =	rddreg [dreg:$0x0]  }
0x2: {  	s5 =	rddreg [dreg:$0x1]  }
0x3: {  	s8 =	rddreg [dreg:$0x2]  }
0x4: {  	s0 =	srdreg.scid;
	s3 =	rddreg [dreg:$0x3]  }
0x5: {  	s2 =	rddreg [dreg:$0x4];
	s6 =	sand.u32 $0x1, s0  }
0x6: {  	s0 =	stileid.u32;
	s7 =	smul.u32 $0x27100, s6  }
0x7: {  	s4 =	simm.s32 $0x0;
	s15 =	simm.s32 $0x50;
	s9 =	smul.u32 $0x2710, s0  }
0x8: {  	s16 =	simm.s32 $0x100;
	s17 =	simm.s32 $0x1;
	s10 =	smul.u32 $0x14000, s0  }
0x9: {  	s18 =	simm.s32 $0x2900;
	s19 =	simm.s32 $0x400;
	s11 =	smul.u32 $0x140000, s6  }
0xa: {  	[smem:$0x7FF] =	sst s4;
	s12 =	smul.u32 $0x28000, s6;
	s13 =	sshrl.u32 s0, $0x3  }
0xb: {  	_ =	strace $0x80000047;
	s21 =	sshll.u32 s0, $0x7;
	s25 =	smul.u32 $0x50000, s0  }
0xc: {  	s6 =	ssub.s32 $0x2, s6;
	s31 =	sshll.u32 s0, $0x6;
	s20 =	smul.u32 $0x14000, s13  }
0xd: {  	s22 =	sand.u32 $0x380, s21;
	s26 =	sshrl.u32 s6, $0x1;
	s13 =	simm.s32 $0x2  }
0xe: {  	s7 =	sadd.s32 s9, s7;
	s11 =	sadd.s32 s10, s11;
	s28 =	ssub.s32 s6, s26  }
0xf: {  	s29 =	sshrl.u32 s25, $0x2;
	s30 =	sshrl.u32 s10, $0x3;
	s6 =	sor.u32 $0x1C02, s31  }
0x10: {  	s7 =	sshrl.u32 s7, $0x3;
	s9 =	sadd.s32 s12, s20;
	s24 =	sshrl.u32 s11, $0x3  }
0x11: {  	s14 =	sadd.s32 s29, s3;
	s20 =	simm.s32 $0x0;
	s23 =	sadd.s32 s7, s5  }
0x12: {  	s9 =	sor.u32 s22, s9;
	s7 =	sadd.s32 s24, s5;
	s12 =	sshrl.u32 s14, $0x3  }
0x13: {  	s14 =	simm.s32 $0x80;
	s9 =	sshrl.u32 s9, $0x3;
	s7 =	sadd.s32 $0x15E00, s7  }
0x14: {  	s10 =	sadd.s32 $0x2200, s23;
	s11 =	sadd.s32 $0xC000, s23;
	s9 =	sadd.s32 s9, s5  }
0x15: {  	v0 =	vimm.f32 $0.0e+00;
	v1 =	vimm.f32 $1.000000000e+00;
	s5 =	sadd.s32 s8, s30;
	s8 =	sadd.s32 $0x65E00, s9;
	s9 =	smax.u32 s28, $0x1  }
.LBB2_1:
0x16: {  	[spmem:s12], [sflag:s6] =	dma.local [hbm:s5], $0x2800  }
0x17: {  	_ =	swait.ge [sflag:s13], $0x2800  }
0x18: {  	[sflag:s13] =	ssyncset.done $0x0  }
0x19: {  	s21 =	simm.s32 $0x40;
	s22 =	simm.s32 $0x0;
	[sflag:s13] =	ssyncadd.s32 $0xFFFFD800  }
.LBB2_2:
0x1a: {  	p0 =	sne.s32 s21, $0x9FC0;
	[tilespmem:s22+$0x2900] =	vst v0;
	s22 =	smov.u32 s21;
	s21 =	sadd.s32 $0x40, s21  }
.Ltmp0:
0x1b: {  	(pc) =	sbr.rel @p0 .LBB2_2-.Ltmp0, $2  }
0x1c: {  	_ =	sdelay $0x2  }
0x1d: {  	s22 =	sshra.s32 s22, $0x2  }
0x1e: {  	[tilespmem:s22+$0x2900] =	vst v0  }
0x1f: {  	s21 =	simm.s32 $0x0;
	[bflag:$0x0] =	sbarrier.arrive $0xFFFF  }
.LBB2_4:
0x20: {  	s22 =	sadd.s32 s21, s11  }
0x21: {  	[tilespmem:s4], [sflag:$0x2] =	stream.linear.gather [hbm4b:s22+s4], $0x50, $0x38;
	[tilespmem:$0x19100] =	vst v63  }
0x22: {  	_ =	swait.ge [sflag:s13], $0x50  }
0x23: {  	[sflag:s13] =	ssyncset.done $0x0  }
0x24: {  	s31 =	sadd.s32 s21, s10;
	[sflag:s13] =	ssyncadd.s32 $0xFFFFFFB0  }
0x25: {  	[tilespmem:s14], [sflag:$0x2] =	stream.linear.gather [hbm4b:s31+s4], $0x50, $0x38;
	[tilespmem:$0x19100] =	vst v63  }
0x26: {  	_ =	swait.ge [sflag:s13], $0x50  }
0x27: {  	[sflag:s13] =	ssyncset.done $0x0  }
0x28: {  	[sflag:s13] =	ssyncadd.s32 $0xFFFFFFB0  }
0x29: {  	[tilespmem:s16], [sflag:$0x1] =	stream.indirect.gather [hbm4b:s1+s15], $0x80, s4, s15, $0xb8;
	[tilespmem:$0x19100] =	vst v63  }
0x2a: {  	_ =	swait.ge [sflag:s17], $0x2800  }
0x2b: {  	[sflag:s17] =	ssyncset.done $0x0  }
0x2c: {  	[sflag:s17] =	ssyncadd.s32 $0xFFFFD800  }
0x2d: {  	[spmem:s3] =	stream.indirect.scatter.add.f32 [tilespmem:s16], [sflag:$0x2], $0x80, s14, s15, $0xb8;
	[tilespmem:$0x19100] =	vst v63  }
0x2e: {  	_ =	swait.ge [sflag:s13], $0x2800  }
0x2f: {  	[sflag:s13] =	ssyncset.done $0x0  }
0x30: {  	[sflag:s13] =	ssyncadd.s32 $0xFFFFD800  }
0x31: {  	v2 =	vld [tilespmem:$0x80];
	_ =	sdelay $0x7  }
0x32: {  	[tilespmem:v2+s18+$0x0] =	vst.idx.add.f32.msk $0xffff, v1  }
0x33: {  	v2 =	vld [tilespmem:$0x90];
	_ =	sdelay $0x7  }
0x34: {  	[tilespmem:v2+s18+$0x0] =	vst.idx.add.f32.msk $0xffff, v1  }
0x35: {  	v2 =	vld [tilespmem:$0xA0];
	_ =	sdelay $0x7  }
0x36: {  	[tilespmem:v2+s18+$0x0] =	vst.idx.add.f32.msk $0xffff, v1  }
0x37: {  	v2 =	vld [tilespmem:$0xB0];
	_ =	sdelay $0x7  }
0x38: {  	[tilespmem:v2+s18+$0x0] =	vst.idx.add.f32.msk $0xffff, v1  }
0x39: {  	v2 =	vld [tilespmem:$0xC0];
	_ =	sdelay $0x2  }
0x3a: {  	p0 =	sne.s32 s21, $0x4D8  }
.Ltmp1:
0x3b: {  	_ = 	snop;
	(pc) =	sbr.rel @p0 .LBB2_4-.Ltmp1, $2  }
0x3c: {  	_ =	sdelay $0x2  }
0x3d: {  	s21 =	sadd.s32 $0xA, s21;
	[tilespmem:v2+s18+$0x0] =	vst.idx.add.f32.msk $0xffff, v1  }
0x3e: {  	[bflag:$0x0] =	sbarrier.arrive $0xFFFF  }
0x3f: {  	[hbm:s7], [sflag:s6] =	dma.local [spmem:s12], $0x2800  }
0x40: {  	s20 =	sadd.s32 $0x1, s20;
	_ =	swait.ge [sflag:s13], $0x2800  }
0x41: {  	p0 =	sne.s32 s20, s9;
	[sflag:s13] =	ssyncset.done $0x0  }
.Ltmp2:
0x42: {  	[sflag:s13] =	ssyncadd.s32 $0xFFFFD800;
	(pc) =	sbr.rel @p0 .LBB2_1-.Ltmp2, $4  }
0x43: {  	[hbm4b:s8+s14] =	stream.strided.scatter [tilespmem:s18], [sflag:$0x2], $0x2800, s19, s14, $0x38;
	[tilespmem:$0x19100] =	vst v63  }
0x44: {  	_ =	swait.ge [sflag:s13], $0x2800  }
0x45: {  	[sflag:s13] =	ssyncset.done $0x0  }
0x46: {  	[sflag:s13] =	ssyncadd.s32 $0xFFFFD800  }
0x47: {  	_ =	sfence.sel $0x180000  }
0x48: {  	[bflag:$0x0] =	sbarrier.arrive $0xFFFF  }
0x49: {  	p0 =	sne.s32 s0, $0x0;
	_ =	strace $0x90000047  }
0x4a: {  	s0 =	sadd.s32 @!p0 $0x100000, s2;
	[bflag:$0x2] =	sbarrier.arrive $0xFFFF  }
0x4b: {  	[sflag:s0] =	ssyncadd.tile.s32 @!p0 $0x1;
	_ =	shalt  }
.Lfunc_end2:
_tile_overlayer_lowered:
.L_overlay_start_2:
0x4c: {  	(tag) =	ssettag $0x2  }
0x4d: {  	s0 =	rddreg [dreg:$0x0];
	s2 =	stileid.u32  }
0x4e: {  	s1 =	rddreg [dreg:$0x1];
	p0 =	sne.s32 s2, $0x0  }
0x4f: {  	s3 =	rddreg [dreg:$0x2];
	[bflag:$0x3] =	sbarrier.arrive $0xFFFF;
	s2 =	simm.s32 @!p0 $0x1C02  }
0x50: {  	[timem:s3], [sflag:s2] =	dma.local @!p0 [hbm:s0], s1  }
0x51: {  	s0 =	simm.s32 @!p0 $0x2  }
0x52: {  	_ =	swait.ge @!p0 [sflag:s0], s1  }
0x53: {  	s1 =	ssub.s32 @!p0 $0x0, s1;
	[sflag:s0] =	ssyncset.done @!p0 $0x0  }
0x54: {  	[sflag:s0] =	ssyncadd.s32 @!p0 s1  }
0x55: {  	[bflag:$0x3] =	sbarrier.arrive $0xFFFF  }
0x56: {  	_ =	shalt  }

// kernel: kernel.9.cloned.1.call-start
scs
__scs_entry_jumppad:
0x0: {  	(pc) =	sbr.rel $0x88, $3  }
0x1: {  	(tag) =	ssettag $0x0;
	lr =	simm.s32 $0x1  }
0x2: {  	[smem:$0x3F99] =	sst lr;
	_ =	strace $0xD0000000  }
0x3: {  	_ = 	snop  }
0x4: {  	_ = 	snop  }
0x5: {  	_ = 	snop  }
0x6: {  	_ = 	snop  }
0x7: {  	_ = 	snop  }
__scs_overlays_trampoline_lowered:
0x8: {  	[smem:$0x3FA8] =	sst s0  }
0x9: {  	[smem:$0x3FA9] =	sst s1  }
0xa: {  	[smem:$0x3FAA] =	sst s2  }
0xb: {  	[smem:$0x3FAB] =	sst s3  }
0xc: {  	[smem:$0x3FAC] =	sst s4  }
0xd: {  	[smem:$0x3FAD] =	sst s5  }
0xe: {  	[smem:$0x3FAE] =	sst s6  }
0xf: {  	[smem:$0x3FAF] =	sst s7  }
0x10: {  	[smem:$0x3FB0] =	sst s8  }
0x11: {  	[smem:$0x3FB1] =	sst s9;
	s0 =	simm.s32 @!p0 $0x0  }
0x12: {  	s1 =	sld [smem:$0x3F97];
	s0 =	simm.s32 @p0 $0x1  }
0x13: {  	[smem:$0x3FB2] =	sst s0;
	s0 =	simm.s32 @!p1 $0x0  }
0x14: {  	s2 =	sld [smem:$0x3F96];
	s0 =	simm.s32 @p1 $0x1  }
0x15: {  	[smem:$0x3FB3] =	sst s0;
	s0 =	simm.s32 @!p2 $0x0  }
0x16: {  	s3 =	sld [smem:$0x3FDB];
	s0 =	simm.s32 @p2 $0x1  }
0x17: {  	s4 =	simm.s32 $0x1BF5;
	[smem:$0x3FB5] =	sst s0  }
0x18: {  	s0 =	sld [smem:$0x3F98];
	_ =	swait.ge [sflag:s4], $0x0  }
0x19: {  	s7 =	sld [smem:$0x3F99]  }
0x1a: {  	s8 =	sadd.s32 $0xFFFFE003, lr  }
0x1b: {  	s9 =	sadd.s32 $0xFFFFFEF7, lr;
	s5 =	simm.s32 $0xFFFFFFFF;
	p2 =	slt.u32 s8, $0xFFFFF086  }
0x1c: {  	p1 =	slt.u32 s9, $0xF7A;
	s5 =	simm.s32 @!p2 $0x0  }
0x1d: {  	s5 =	simm.s32 @p1 $0x1;
	p0 =	seq.s32 s7, s2  }
0x1e: {  	s7 =	smul.u32 @!p0 $0xF7A, s2;
	p2 =	seq.s32 @!p0 s5, $0x0  }
0x1f: {  	s9 =	smul.u32 $0xF7A, s1;
	s8 =	simm.s32 @!p0 $0x1BF5;
	p2 =	por !p2, p0  }
0x20: {  	[sflag:s8] =	ssyncset.s32 @!p0 $0xFFFFF086;
	s6 =	sadd.s32 @!p0 s3, s7;
	s7 =	simm.s32 @!p0 $0x108  }
0x21: {  	s3 =	sadd.s32 s3, s9;
	s6 =	sadd.s32 @!p0 $0x88, s6;
	s7 =	simm.s32 @p2 $0x1082  }
0x22: {  	[simem:s7], [sflag:s8] =	dma.local @!p0 [hbm:s6], $0xF7A  }
0x23: {  	s9 =	sor.u32 $0xD0000000, s2;
	s6 =	simm.s32 $0x108;
	_ =	swait.ge @!p0 [sflag:s8], $0x0  }
0x24: {  	s3 =	sadd.s32 $0x88, s3;
	s6 =	simm.s32 @!p1 $0x1082;
	[sflag:s4] =	ssyncset.s32 $0xFFFFF086  }
0x25: {  	[simem:s6], [sflag:s4] =	dma.local [hbm:s3], $0xF7A  }
0x26: {  	[smem:$0x3F99] =	sst s1;
	(tag) =	ssettag s2;
	_ =	strace s9  }
0x27: {  	s1 =	sld [smem:$0x3FA9]  }
0x28: {  	s2 =	sld [smem:$0x3FAA]  }
0x29: {  	s4 =	sld [smem:$0x3FAC]  }
0x2a: {  	p0 =	seq.s32 s5, $0x0;
	s5 =	sld [smem:$0x3FAD]  }
0x2b: {  	s6 =	sld [smem:$0x3FAE]  }
0x2c: {  	s7 =	sld [smem:$0x3FAF]  }
0x2d: {  	s3 =	simm.s32 $0x108;
	s8 =	sld [smem:$0x3FB0]  }
0x2e: {  	s3 =	simm.s32 @!p0 $0x1082;
	s9 =	sld [smem:$0x3FB1]  }
0x2f: {  	lr =	sadd.s32 s0, s3;
	s0 =	sld [smem:$0x3FA8]  }
0x30: {  	s3 =	sld [smem:$0x3FAB]  }
0x31: {  	[smem:$0x3FB4] =	sst s10  }
0x32: {  	s10 =	sld [smem:$0x3FB2];
	_ =	sdelay $0x3  }
0x33: {  	p0 =	seq.s32 s10, $0x1;
	s10 =	sld [smem:$0x3FB4];
	_ =	sdelay $0x3  }
0x34: {  	[smem:$0x3FB4] =	sst s10  }
0x35: {  	s10 =	sld [smem:$0x3FB3];
	_ =	sdelay $0x3  }
0x36: {  	p1 =	seq.s32 s10, $0x1;
	s10 =	sld [smem:$0x3FB4];
	_ =	sdelay $0x3  }
0x37: {  	[smem:$0x3FB4] =	sst s10  }
0x38: {  	s10 =	sld [smem:$0x3FB5]  }
0x39: {  	_ = 	snop;
	(pc) =	sbr.ind lr, $3  }
0x3a: {  	_ = 	snop  }
0x3b: {  	_ = 	snop  }
0x3c: {  	p2 =	seq.s32 s10, $0x1;
	s10 =	sld [smem:$0x3FB4]  }
0x3d: {  	_ =	shalt  }
0x3e: {  	_ =	shalt  }
0x3f: {  	_ =	shalt  }
0x40: {  	_ =	shalt  }
0x41: {  	_ =	shalt  }
0x42: {  	_ =	shalt  }
0x43: {  	_ =	shalt  }
0x44: {  	_ =	shalt  }
0x45: {  	_ =	shalt  }
0x46: {  	_ =	shalt  }
0x47: {  	_ =	shalt  }
0x48: {  	_ =	shalt  }
0x49: {  	_ =	shalt  }
0x4a: {  	_ =	shalt  }
0x4b: {  	_ =	shalt  }
0x4c: {  	_ =	shalt  }
0x4d: {  	_ =	shalt  }
0x4e: {  	_ =	shalt  }
0x4f: {  	_ =	shalt  }
0x50: {  	_ =	shalt  }
0x51: {  	_ =	shalt  }
0x52: {  	_ =	shalt  }
0x53: {  	_ =	shalt  }
0x54: {  	_ =	shalt  }
0x55: {  	_ =	shalt  }
0x56: {  	_ =	shalt  }
0x57: {  	_ =	shalt  }
0x58: {  	_ =	shalt  }
0x59: {  	_ =	shalt  }
0x5a: {  	_ =	shalt  }
0x5b: {  	_ =	shalt  }
0x5c: {  	_ =	shalt  }
0x5d: {  	_ =	shalt  }
0x5e: {  	_ =	shalt  }
0x5f: {  	_ =	shalt  }
0x60: {  	_ =	shalt  }
0x61: {  	_ =	shalt  }
0x62: {  	_ =	shalt  }
0x63: {  	_ =	shalt  }
0x64: {  	_ =	shalt  }
0x65: {  	_ =	shalt  }
0x66: {  	_ =	shalt  }
0x67: {  	_ =	shalt  }
0x68: {  	_ =	shalt  }
0x69: {  	_ =	shalt  }
0x6a: {  	_ =	shalt  }
0x6b: {  	_ =	shalt  }
0x6c: {  	_ =	shalt  }
0x6d: {  	_ =	shalt  }
0x6e: {  	_ =	shalt  }
0x6f: {  	_ =	shalt  }
0x70: {  	_ =	shalt  }
0x71: {  	_ =	shalt  }
0x72: {  	_ =	shalt  }
0x73: {  	_ =	shalt  }
0x74: {  	_ =	shalt  }
0x75: {  	_ =	shalt  }
0x76: {  	_ =	shalt  }
0x77: {  	_ =	shalt  }
0x78: {  	_ =	shalt  }
0x79: {  	_ =	shalt  }
0x7a: {  	_ =	shalt  }
0x7b: {  	_ =	shalt  }
0x7c: {  	_ =	shalt  }
0x7d: {  	_ =	shalt  }
0x7e: {  	_ =	shalt  }
0x7f: {  	_ =	shalt  }
0x80: {  	_ =	shalt  }
0x81: {  	_ =	shalt  }
0x82: {  	_ =	shalt  }
0x83: {  	_ =	shalt  }
0x84: {  	_ =	shalt  }
0x85: {  	_ =	shalt  }
0x86: {  	_ =	shalt  }
0x87: {  	_ =	shalt  }
.Lfunc_end0:
.L_simem_size_0:
called_computation.1_lowered:
.L_overlay_start_0:
0x88: {  	s2 =	sld [smem:$0x3FD9]  }
0x89: {  	s3 =	sld [smem:$0x3FFE];
	_ =	sdelay $0x1  }
0x8a: {  	s1 =	srdreg.scid  }
0x8b: {  	s0 =	sand.u32 $0x1, s1  }
0x8c: {  	s17 =	sshll.u32 s0, $0xA;
	s2 =	sadd.s32 s3, s2  }
0x8d: {  	s2 =	sadd.s32 s2, s17  }
0x8e: {  	[smem:$0x3FC0] =	sst s2  }
0x8f: {  	_ = 	snop  }
0x90: {  	s2 =	sld [smem:$0x3FD0];
	(tm) =	ssettm $0x1  }
0x91: {  	s18 =	sld [smem:$0x3FFB];
	_ =	sdelay $0x3  }
0x92: {  	_ =	strace s18  }
0x93: {  	s3 =	sld [smem:$0x3FFC];
	_ =	sdelay $0x3  }
0x94: {  	_ =	strace s3  }
0x95: {  	s3 =	sld [smem:$0x3FFD];
	_ =	sdelay $0x3  }
0x96: {  	_ =	strace s3  }
0x97: {  	_ =	strace $0x8FFFFFFF  }
0x98: {  	s19 =	sld [smem:$0x3FDB];
	_ =	sdelay $0x1  }
0x99: {  	s4 =	simm.s32 $_scs_section_size  }
0x9a: {  	s5 =	simm.s32 $_size__tile_overlayer_lowered;
	s6 =	simm.s32 $_tile_overlayer_lowered  }
0x9b: {  	s22 =	simm.s32 $0x1BFF;
	s21 =	sshll.u32 s6, $0x1;
	s3 =	sadd.s32 s4, s19  }
0x9c: {  	s7 =	simm.s32 $0x0;
	s20 =	sshll.u32 s5, $0x1;
	s5 =	sadd.s32 s21, s3  }
0x9d: {  	[timem:s7], [sflag:s22] =	dma.local [hbm:s5], s20  }
0x9e: {  	_ =	swait.ge [sflag:s22], s20  }
0x9f: {  	s4 =	ssub.s32 $0x0, s20;
	[sflag:s22] =	ssyncset.done $0x0  }
0xa0: {  	[sflag:s22] =	ssyncadd.s32 s4;
	_ =	sdelay $0x1  }
0xa1: {  	s23 =	simm.s32 $0x1B8B  }
0xa2: {  	_ =	swait.ge [sflag:s23], $0x1  }
0xa3: {  	[sflag:s23] =	ssyncset.done $0x0  }
0xa4: {  	s25 =	simm.s32 $0x1B8E;
	s24 =	sld [smem:$0x3FFE];
	[sflag:s23] =	ssyncadd.s32 $0xFFFFFFFF  }
0xa5: {  	s26 =	simm.s32 $execute0_lowered;
	[smem:$0x3FD2] =	sst s25  }
0xa6: {  	s5 =	sshll.u32 s26, $0x1;
	_ =	strace $0x80000049;
	[dreg:$0x1] =	wrdreg $0xFFFFFFFF  }
0xa7: {  	s28 =	simm.s32 $_size_execute0_lowered;
	s3 =	sadd.s32 s3, s5;
	[dreg:$0x0] =	wrdreg $0x0  }
0xa8: {  	s5 =	sshll.u32 s28, $0x1;
	[dreg:$0x2] =	wrdreg s3  }
0xa9: {  	[dreg:$0x3] =	wrdreg s5  }
0xaa: {  	[dreg:$0x4] =	wrdreg $0xC0  }
0xab: {  	_ =	task [dreg:s7], $0x5FFFF  }
0xac: {  	[dreg:$0x1] =	wrdreg $0xFFFFFFFF  }
0xad: {  	[dreg:$0x0] =	wrdreg $0x60  }
0xae: {  	[dreg:$0x2] =	wrdreg s24  }
0xaf: {  	[dreg:$0x3] =	wrdreg s2  }
0xb0: {  	[dreg:$0x4] =	wrdreg $0x29000  }
0xb1: {  	[dreg:$0x5] =	wrdreg $0x9  }
0xb2: {  	_ =	task.clear_ibuf [dreg:s7], $0x6FFFF;
	_ =	strace $0x90000049  }
0xb3: {  	s29 =	simm.s32 $0x9;
	_ =	strace $0x8000004B  }
0xb4: {  	_ =	swait.ge [sflag:s29], $0x1  }
0xb5: {  	[sflag:s29] =	ssyncadd.s32 $0xFFFFFFFF  }
0xb6: {  	_ =	strace $0x9000004B  }
0xb7: {  	_ =	sfence  }
0xb8: {  	s30 =	sld [smem:$0x0];
	_ =	sdelay $0x2  }
0xb9: {  	s31 =	sshll.u32 s1, $0xD;
	s1 =	sshrl.u32 s1, $0x2  }
0xba: {  	s3 =	sand.u32 $0x4000, s31;
	s1 =	sadd.s32 s1, s30  }
0xbb: {  	s0 =	sor.u32 s3, s0;
	s1 =	sshll.u32 s1, $0x11  }
0xbc: {  	s0 =	sor.u32 s1, s0  }
0xbd: {  	s0 =	sadd.s32 $0x8F2B, s0  }
0xbe: {  	[sflag:s0] =	ssyncadd.remote.s32 $0x1  }
0xbf: {  	_ =	sfence.sel $0xFFFF  }
0xc0: {  	[dreg:$0x0] =	wrdreg $0xFFFFFFFF;
	(pc) =	sbr.abs _section_cstart, $3  }
0xc1: {  	[dreg:$0x1] =	wrdreg $0xFFFFFFFF  }
0xc2: {  	_ =	task.clear_ibuf [dreg:s7], $0x2FFFF;
	_ =	strace $0x9FFFFFFF  }
0xc3: {  	(tm) =	ssettm $0x7FFFFFFF  }
tec
execute0_lowered:
.L_overlay_start_1:
0x0: {  	(tag) =	ssettag $0x1  }
0x1: {  	s5 =	rddreg [dreg:$0x0]  }
0x2: {  	s6 =	rddreg [dreg:$0x1]  }
0x3: {  	s0 =	srdreg.scid;
	s2 =	rddreg [dreg:$0x2]  }
0x4: {  	s1 =	rddreg [dreg:$0x3];
	s7 =	sand.u32 $0x1, s0  }
0x5: {  	s3 =	simm.s32 $0x0;
	s0 =	stileid.u32;
	s4 =	smul.u32 $0x27100, s7  }
0x6: {  	s13 =	simm.s32 $0x80;
	s14 =	simm.s32 $0x50;
	s8 =	smul.u32 $0x2710, s0  }
0x7: {  	s15 =	simm.s32 $0x100;
	s16 =	simm.s32 $0x1;
	s9 =	smul.u32 $0x14000, s0  }
0x8: {  	s17 =	simm.s32 $0x0;
	[smem:$0x7FF] =	sst s3;
	s10 =	smul.u32 $0x140000, s7  }
0x9: {  	_ =	strace $0x8000004A;
	s7 =	ssub.s32 $0x2, s7;
	s11 =	smul.u32 $0x50000, s0  }
0xa: {  	s31 =	sshll.u32 s0, $0x6;
	s26 =	sshrl.u32 s7, $0x1;
	s8 =	sadd.s32 s8, s4  }
0xb: {  	s4 =	sadd.s32 $0x15E00, s5;
	s10 =	sadd.s32 s9, s10;
	s28 =	ssub.s32 s7, s26  }
0xc: {  	s29 =	sshrl.u32 s11, $0x2;
	s30 =	sshrl.u32 s9, $0x3;
	s8 =	sshrl.u32 s8, $0x3  }
0xd: {  	s10 =	sshrl.u32 s10, $0x3;
	s11 =	sadd.s32 s29, s2;
	s12 =	sadd.s32 s8, s5  }
0xe: {  	s25 =	sadd.s32 s10, s5;
	s5 =	sadd.s32 s6, s30;
	s6 =	sor.u32 $0x1C02, s31  }
0xf: {  	s8 =	smax.u32 s28, $0x1;
	s11 =	sshrl.u32 s11, $0x3;
	s7 =	sadd.s32 $0x6FE00, s25  }
0x10: {  	s9 =	sadd.s32 $0x2200, s12;
	s10 =	sadd.s32 $0xC000, s12;
	s12 =	simm.s32 $0x2  }
.LBB2_1:
0x11: {  	[spmem:s11], [sflag:s6] =	dma.local [hbm:s5], $0x2800  }
0x12: {  	_ =	swait.ge [sflag:s12], $0x2800  }
0x13: {  	[sflag:s12] =	ssyncset.done $0x0  }
0x14: {  	[sflag:s12] =	ssyncadd.s32 $0xFFFFD800  }
0x15: {  	s18 =	sadd.s32 $0x0, s10;
	[bflag:$0x0] =	sbarrier.arrive $0xFFFF  }
0x16: {  	[tilespmem:s3], [sflag:$0x2] =	stream.linear.gather [hbm4b:s18+s3], $0x50, $0x38;
	[tilespmem:$0x16900] =	vst v63  }
0x17: {  	_ =	swait.ge [sflag:s12], $0x50  }
0x18: {  	[sflag:s12] =	ssyncset.done $0x0  }
0x19: {  	s31 =	sadd.s32 $0x0, s9;
	[sflag:s12] =	ssyncadd.s32 $0xFFFFFFB0  }
0x1a: {  	[tilespmem:s13], [sflag:$0x2] =	stream.linear.gather [hbm4b:s31+s3], $0x50, $0x38;
	[tilespmem:$0x16900] =	vst v63  }
0x1b: {  	_ =	swait.ge [sflag:s12], $0x50  }
0x1c: {  	[sflag:s12] =	ssyncset.done $0x0  }
0x1d: {  	[sflag:s12] =	ssyncadd.s32 $0xFFFFFFB0  }
0x1e: {  	[tilespmem:s15], [sflag:$0x1] =	stream.indirect.gather [hbm4b:s4+s14], $0x80, s3, s14, $0xb8;
	[tilespmem:$0x16900] =	vst v63  }
0x1f: {  	_ =	swait.ge [sflag:s16], $0x2800  }
0x20: {  	[sflag:s16] =	ssyncset.done $0x0  }
0x21: {  	[sflag:s16] =	ssyncadd.s32 $0xFFFFD800  }
0x22: {  	[spmem:s2] =	stream.indirect.scatter.add.f32 [tilespmem:s15], [sflag:$0x2], $0x80, s13, s14, $0xb8;
	[tilespmem:$0x16900] =	vst v63  }
0x23: {  	_ =	swait.ge [sflag:s12], $0x2800  }
0x24: {  	s19 =	simm.s32 $0x14;
	s18 =	simm.s32 $0xA;
	[sflag:s12] =	ssyncset.done $0x0  }
.LBB2_2:
0x25: {  	s20 =	sadd.s32 s18, s10  }
0x26: {  	[sflag:s12] =	ssyncadd.s32 $0xFFFFD800;
	s21 =	smov.u32 s19;
	s22 =	sadd.s32 $0xA, s19  }
0x27: {  	[tilespmem:s3], [sflag:$0x2] =	stream.linear.gather [hbm4b:s20+s3], $0x50, $0x38;
	[tilespmem:$0x16900] =	vst v63  }
0x28: {  	p0 =	sne.s32 s19, $0x4D8;
	_ =	swait.ge [sflag:s12], $0x50  }
0x29: {  	[sflag:s12] =	ssyncset.done $0x0  }
0x2a: {  	s19 =	sadd.s32 s18, s9;
	s18 =	smov.u32 s21;
	[sflag:s12] =	ssyncadd.s32 $0xFFFFFFB0  }
0x2b: {  	[tilespmem:s13], [sflag:$0x2] =	stream.linear.gather [hbm4b:s19+s3], $0x50, $0x38;
	[tilespmem:$0x16900] =	vst v63  }
0x2c: {  	_ =	swait.ge [sflag:s12], $0x50  }
0x2d: {  	[sflag:s12] =	ssyncset.done $0x0  }
0x2e: {  	[sflag:s12] =	ssyncadd.s32 $0xFFFFFFB0  }
0x2f: {  	[tilespmem:s15], [sflag:$0x1] =	stream.indirect.gather [hbm4b:s4+s14], $0x80, s3, s14, $0xb8;
	[tilespmem:$0x16900] =	vst v63  }
0x30: {  	_ =	swait.ge [sflag:s16], $0x2800  }
.Ltmp0:
0x31: {  	[sflag:s16] =	ssyncset.done $0x0;
	(pc) =	sbr.rel @p0 .LBB2_2-.Ltmp0, $4  }
0x32: {  	[sflag:s16] =	ssyncadd.s32 $0xFFFFD800  }
0x33: {  	[spmem:s2] =	stream.indirect.scatter.add.f32 [tilespmem:s15], [sflag:$0x2], $0x80, s13, s14, $0xb8;
	[tilespmem:$0x16900] =	vst v63  }
0x34: {  	_ =	swait.ge [sflag:s12], $0x2800  }
0x35: {  	s19 =	smov.u32 s22;
	[sflag:s12] =	ssyncset.done $0x0  }
0x36: {  	s19 =	sadd.s32 s18, s10;
	[sflag:s12] =	ssyncadd.s32 $0xFFFFD800  }
0x37: {  	[tilespmem:s3], [sflag:$0x2] =	stream.linear.gather [hbm4b:s19+s3], $0x50, $0x38;
	[tilespmem:$0x16900] =	vst v63  }
0x38: {  	_ =	swait.ge [sflag:s12], $0x50  }
0x39: {  	[sflag:s12] =	ssyncset.done $0x0  }
0x3a: {  	s31 =	sadd.s32 s18, s9;
	[sflag:s12] =	ssyncadd.s32 $0xFFFFFFB0  }
0x3b: {  	[tilespmem:s13], [sflag:$0x2] =	stream.linear.gather [hbm4b:s31+s3], $0x50, $0x38;
	[tilespmem:$0x16900] =	vst v63  }
0x3c: {  	_ =	swait.ge [sflag:s12], $0x50  }
0x3d: {  	[sflag:s12] =	ssyncset.done $0x0  }
0x3e: {  	[sflag:s12] =	ssyncadd.s32 $0xFFFFFFB0  }
0x3f: {  	[tilespmem:s15], [sflag:$0x1] =	stream.indirect.gather [hbm4b:s4+s14], $0x80, s3, s14, $0xb8;
	[tilespmem:$0x16900] =	vst v63  }
0x40: {  	_ =	swait.ge [sflag:s16], $0x2800  }
0x41: {  	[sflag:s16] =	ssyncset.done $0x0  }
0x42: {  	[sflag:s16] =	ssyncadd.s32 $0xFFFFD800  }
0x43: {  	[spmem:s2] =	stream.indirect.scatter.add.f32 [tilespmem:s15], [sflag:$0x2], $0x80, s13, s14, $0xb8;
	[tilespmem:$0x16900] =	vst v63  }
0x44: {  	_ =	swait.ge [sflag:s12], $0x2800  }
0x45: {  	s17 =	sadd.s32 $0x1, s17;
	[sflag:s12] =	ssyncset.done $0x0  }
0x46: {  	p0 =	sne.s32 s17, s8;
	[sflag:s12] =	ssyncadd.s32 $0xFFFFD800  }
.Ltmp1:
0x47: {  	[bflag:$0x0] =	sbarrier.arrive $0xFFFF;
	(pc) =	sbr.rel @p0 .LBB2_1-.Ltmp1, $4  }
0x48: {  	[hbm:s7], [sflag:s6] =	dma.local [spmem:s11], $0x2800  }
0x49: {  	_ =	swait.ge [sflag:s12], $0x2800  }
0x4a: {  	[sflag:s12] =	ssyncset.done $0x0  }
0x4b: {  	[sflag:s12] =	ssyncadd.s32 $0xFFFFD800  }
0x4c: {  	_ =	sfence.sel $0x180000  }
0x4d: {  	[bflag:$0x0] =	sbarrier.arrive $0xFFFF  }
0x4e: {  	p0 =	sne.s32 s0, $0x0;
	_ =	strace $0x9000004A  }
0x4f: {  	s0 =	sadd.s32 @!p0 $0x100000, s1;
	[bflag:$0x2] =	sbarrier.arrive $0xFFFF  }
0x50: {  	[sflag:s0] =	ssyncadd.tile.s32 @!p0 $0x1;
	_ =	shalt  }
.Lfunc_end2:
_tile_overlayer_lowered:
.L_overlay_start_2:
0x51: {  	(tag) =	ssettag $0x2  }
0x52: {  	s0 =	rddreg [dreg:$0x0];
	s2 =	stileid.u32  }
0x53: {  	s1 =	rddreg [dreg:$0x1];
	p0 =	sne.s32 s2, $0x0  }
0x54: {  	s3 =	rddreg [dreg:$0x2];
	[bflag:$0x3] =	sbarrier.arrive $0xFFFF;
	s2 =	simm.s32 @!p0 $0x1C02  }
0x55: {  	[timem:s3], [sflag:s2] =	dma.local @!p0 [hbm:s0], s1  }
0x56: {  	s0 =	simm.s32 @!p0 $0x2  }
0x57: {  	_ =	swait.ge @!p0 [sflag:s0], s1  }
0x58: {  	s1 =	ssub.s32 @!p0 $0x0, s1;
	[sflag:s0] =	ssyncset.done @!p0 $0x0  }
0x59: {  	[sflag:s0] =	ssyncadd.s32 @!p0 s1  }
0x5a: {  	[bflag:$0x3] =	sbarrier.arrive $0xFFFF  }
0x5b: {  	_ =	shalt  }

</sc_bundles>
